<compile_context>
chip_gen: v7x
topology: tpu7x:2x2x1
jax: 0.10.2.dev20260603
libtpu: 0.0.44.dev20260713+nightly
codegen_flags: <defaults>
</compile_context>

<pallas_src>
import functools

import jax
import jax.numpy as jnp
from jax import lax
from jax.experimental import pallas as pl
from jax.experimental.pallas import tpu as pltpu
from jax.experimental.pallas import tpu_sc as plsc

HIDDEN = 128
NC = 2
NS = 16
NW = NC * NS
SUB = 224
NBUF = 4
LOOKAHEAD = 2


@functools.lru_cache(maxsize=None)
def _make(b_pad):
    b_per_w = b_pad // NW
    n_sub = b_per_w // SUB
    mesh = plsc.VectorSubcoreMesh(core_axis_name="c", subcore_axis_name="s")

    @functools.partial(
        pl.kernel,
        mesh=mesh,
        out_type=jax.ShapeDtypeStruct((b_pad, HIDDEN), jnp.float32),
        scratch_types=[
            pltpu.VMEM((b_per_w,), jnp.int32),
            pltpu.VMEM((NBUF, SUB, HIDDEN), jnp.float32),
            pltpu.VMEM_SHARED((128, HIDDEN), jnp.float32),
            pltpu.SemaphoreType.DMA,
            pltpu.SemaphoreType.DMA,
        ],
    )
    def emb_kernel(idx_hbm, table_hbm, out_hbm, idx_v, bufs, tbl_sh, gsem, ssem):
        wid = lax.axis_index("s") * NC + lax.axis_index("c")
        base = wid * b_per_w
        sid = lax.axis_index("s")

        @pl.when(sid == 0)
        def _():
            pltpu.sync_copy(table_hbm, tbl_sh)

        pltpu.sync_copy(idx_hbm.at[pl.ds(base, b_per_w)], idx_v)
        plsc.subcore_barrier()

        def fire_gather(chunk):
            return pltpu.async_copy(
                tbl_sh.at[idx_v.at[pl.ds(chunk * SUB, SUB)]],
                bufs.at[chunk % NBUF],
                gsem,
            )

        def fire_scatter(chunk):
            return pltpu.async_copy(
                bufs.at[chunk % NBUF],
                out_hbm.at[pl.ds(base + chunk * SUB, SUB)],
                ssem,
            )

        gh = {j: fire_gather(j) for j in range(min(LOOKAHEAD, n_sub))}
        sh = {}
        sdone = 0
        for j in range(n_sub):
            gh[j].wait()
            sh[j] = fire_scatter(j)
            jj = j + LOOKAHEAD
            if jj < n_sub:
                while sdone <= jj - NBUF:
                    sh[sdone].wait()
                    sdone += 1
                gh[jj] = fire_gather(jj)
        while sdone < n_sub:
            sh[sdone].wait()
            sdone += 1

    return emb_kernel


def kernel(x_long, emb_weight):
    idx = x_long.reshape(-1).astype(jnp.int32)
    b = idx.shape[0]
    chunk = NW * SUB
    b_pad = ((b + chunk - 1) // chunk) * chunk
    idx_p = jnp.pad(idx, (0, b_pad - b))
    out = _make(b_pad)(idx_p, emb_weight)
    return out[:b]

# --- scband reference (transcript-rebuilt; emitter-appended) ---
"""Pipeline reference for scband-atom-encoder-41669772706620 (READ-ONLY COPY).

The authoritative reference and input builder live on the scoring server;
editing this copy changes nothing except your own understanding.
"""

import jax, jax.numpy as jnp
import numpy as np

NUM_ATOM_TOKENS = 128
HIDDEN = 128
N_ATOMS = 100000


def setup_inputs(seed: int = 0) -> dict:
    key = jax.random.key(seed)
    k1, k2 = jax.random.split(key)
    x_long = jax.random.randint(k1, (N_ATOMS,), 0, NUM_ATOM_TOKENS, dtype=jnp.int64 if jax.config.jax_enable_x64 else jnp.int32)
    emb_weight = jax.random.normal(k2, (NUM_ATOM_TOKENS, HIDDEN), dtype=jnp.float32)
    return {"x_long": x_long, "emb_weight": emb_weight}


def reference(x_long, emb_weight):
    # AtomEncoder.forward: self.emb(x_long.view(-1))
    idx = x_long.reshape(-1)
    return jnp.take(emb_weight, idx, axis=0)

if __name__ == "__main__":
    import jax
    _d = setup_inputs()
    print(jax.jit(kernel)(*tuple(_d.values())))

</pallas_src>

<mosaic_0001>
#map = affine_map<(d0, d1) -> (0)>
#map1 = affine_map<(d0, d1) -> (0, 0)>
module attributes {stable_mosaic.version = 14 : i64} {
  func.func @emb_kernel(%arg0: i32, %arg1: i32, %arg2: memref<100352xi32, #tpu.memory_space<hbm>>, %arg3: memref<128x128xf32, #tpu.memory_space<hbm>>, %arg4: memref<100352x128xf32, #tpu.memory_space<hbm>>, %arg5: memref<3136xi32, #tpu.memory_space<vmem>>, %arg6: memref<4x224x128xf32, #tpu.memory_space<vmem>>, %arg7: memref<128x128xf32, #tpu.memory_space<vmem_shared>>, %arg8: memref<!tpu.dma_semaphore, #tpu.memory_space<semaphore_mem>>, %arg9: memref<!tpu.dma_semaphore, #tpu.memory_space<semaphore_mem>>) attributes {dimension_semantics = [#tpu.dimension_semantics<core_parallel>, #tpu.dimension_semantics<subcore_parallel>], iteration_bounds = array<i64: 2, 16>, scalar_prefetch = 0 : i64, scratch_operands = 5 : i64, tpu.core_type = #tpu.core_type<sc_vector_subcore>, window_params = [{transform_indices = #map}, {transform_indices = #map1}, {transform_indices = #map1}]} {
    %mul3A = arith.constant 2 : i32
    %mul3A_0 = arith.muli %arg1, %mul3A : i32
    %add3A = arith.addi %mul3A_0, %arg0 : i32
    %mul3A_1 = arith.constant 3136 : i32
    %mul3A_2 = arith.muli %add3A, %mul3A_1 : i32
    %eq3A = arith.constant 0 : i32
    %eq3A_3 = arith.cmpi eq, %arg1, %eq3A : i32
    %convert_element_type3A = arith.extui %eq3A_3 : i1 to i32
    %cond3A = arith.constant 0 : i32
    %cond3A_4 = arith.cmpi ne, %convert_element_type3A, %cond3A : i32
    scf.if %cond3A_4 {
      "tpu.region"() ({
        %run_scoped3A = tpu.sem_alloc : memref<!tpu.dma_semaphore, #tpu.memory_space<semaphore_mem>>
        tpu.enqueue_dma source(%arg3 : memref<128x128xf32, #tpu.memory_space<hbm>>) target(%arg7 : memref<128x128xf32, #tpu.memory_space<vmem_shared>>) target_semaphore(%run_scoped3A : memref<!tpu.dma_semaphore, #tpu.memory_space<semaphore_mem>>)
        tpu.wait_dma2 semaphore(%run_scoped3A : memref<!tpu.dma_semaphore, #tpu.memory_space<semaphore_mem>>) src(%arg3 : memref<128x128xf32, #tpu.memory_space<hbm>>) dst(%arg7 : memref<128x128xf32, #tpu.memory_space<vmem_shared>>)
        tpu.yield
      }) : () -> ()
    } else {
    }
    "tpu.region"() ({
      %run_scoped3A = tpu.sem_alloc : memref<!tpu.dma_semaphore, #tpu.memory_space<semaphore_mem>>
      %dma_start3A_675 = tpu.memref_slice %arg2[%mul3A_2] : memref<100352xi32, #tpu.memory_space<hbm>> -> memref<3136xi32, #tpu.memory_space<hbm>>
      %dma_start3A_676 = tpu.memref_slice %arg2[%mul3A_2] : memref<100352xi32, #tpu.memory_space<hbm>> -> memref<3136xi32, #tpu.memory_space<hbm>>
      tpu.enqueue_dma source(%dma_start3A_676 : memref<3136xi32, #tpu.memory_space<hbm>>) target(%arg5 : memref<3136xi32, #tpu.memory_space<vmem>>) target_semaphore(%run_scoped3A : memref<!tpu.dma_semaphore, #tpu.memory_space<semaphore_mem>>)
      %dma_wait3A_677 = tpu.memref_slice %arg2[%mul3A_2] : memref<100352xi32, #tpu.memory_space<hbm>> -> memref<3136xi32, #tpu.memory_space<hbm>>
      %dma_wait3A_678 = tpu.memref_slice %arg2[%mul3A_2] : memref<100352xi32, #tpu.memory_space<hbm>> -> memref<3136xi32, #tpu.memory_space<hbm>>
      tpu.wait_dma2 semaphore(%run_scoped3A : memref<!tpu.dma_semaphore, #tpu.memory_space<semaphore_mem>>) src(%dma_wait3A_678 : memref<3136xi32, #tpu.memory_space<hbm>>) dst(%arg5 : memref<3136xi32, #tpu.memory_space<vmem>>)
      tpu.yield
    }) : () -> ()
    %barrier3A = arith.constant 0 : index
    tpu.barrier barrier_id(%barrier3A)
    %dma_start3A = arith.constant 0 : i32
    %dma_start3A_5 = arith.constant 0 : i32
    %dma_start3A_6 = arith.constant 0 : i32
    %dma_start3A_7 = tpu.memref_slice %arg6[%dma_start3A, %dma_start3A_5, %dma_start3A_6] : memref<4x224x128xf32, #tpu.memory_space<vmem>> -> memref<1x224x128xf32, #tpu.memory_space<vmem>>
    %dma_start3A_8 = tpu.memref_squeeze %dma_start3A_7 : memref<1x224x128xf32, #tpu.memory_space<vmem>> -> memref<224x128xf32, #tpu.memory_space<vmem>>
    %dma_start3A_9 = arith.constant 0 : i32
    %dma_start3A_10 = tpu.memref_slice %arg5[%dma_start3A_9] : memref<3136xi32, #tpu.memory_space<vmem>> -> memref<224xi32, #tpu.memory_space<vmem>>
    %dma_start3A_11 = arith.constant 0 : i32
    %dma_start3A_12 = arith.constant 0 : i32
    %dma_start3A_13 = tpu.memref_slice %arg7[%dma_start3A_11, %dma_start3A_12] : memref<128x128xf32, #tpu.memory_space<vmem_shared>> -> memref<128x128xf32, #tpu.memory_space<vmem_shared>>
    tpu.enqueue_indirect_dma source(%dma_start3A_13 : memref<128x128xf32, #tpu.memory_space<vmem_shared>>) target(%dma_start3A_8 : memref<224x128xf32, #tpu.memory_space<vmem>>) offsets(%dma_start3A_10 : memref<224xi32, #tpu.memory_space<vmem>>) semaphore(%arg8 : memref<!tpu.dma_semaphore, #tpu.memory_space<semaphore_mem>>)
    %dma_start3A_14 = arith.constant 1 : i32
    %dma_start3A_15 = arith.constant 0 : i32
    %dma_start3A_16 = arith.constant 0 : i32
    %dma_start3A_17 = tpu.memref_slice %arg6[%dma_start3A_14, %dma_start3A_15, %dma_start3A_16] : memref<4x224x128xf32, #tpu.memory_space<vmem>> -> memref<1x224x128xf32, #tpu.memory_space<vmem>>
    %dma_start3A_18 = tpu.memref_squeeze %dma_start3A_17 : memref<1x224x128xf32, #tpu.memory_space<vmem>> -> memref<224x128xf32, #tpu.memory_space<vmem>>
    %dma_start3A_19 = arith.constant 224 : i32
    %dma_start3A_20 = tpu.memref_slice %arg5[%dma_start3A_19] : memref<3136xi32, #tpu.memory_space<vmem>> -> memref<224xi32, #tpu.memory_space<vmem>>
    %dma_start3A_21 = arith.constant 0 : i32
    %dma_start3A_22 = arith.constant 0 : i32
    %dma_start3A_23 = tpu.memref_slice %arg7[%dma_start3A_21, %dma_start3A_22] : memref<128x128xf32, #tpu.memory_space<vmem_shared>> -> memref<128x128xf32, #tpu.memory_space<vmem_shared>>
    tpu.enqueue_indirect_dma source(%dma_start3A_23 : memref<128x128xf32, #tpu.memory_space<vmem_shared>>) target(%dma_start3A_18 : memref<224x128xf32, #tpu.memory_space<vmem>>) offsets(%dma_start3A_20 : memref<224xi32, #tpu.memory_space<vmem>>) semaphore(%arg8 : memref<!tpu.dma_semaphore, #tpu.memory_space<semaphore_mem>>)
    %dma_wait3A = arith.constant 0 : i32
    %dma_wait3A_24 = arith.constant 0 : i32
    %dma_wait3A_25 = arith.constant 0 : i32
    %dma_wait3A_26 = tpu.memref_slice %arg6[%dma_wait3A, %dma_wait3A_24, %dma_wait3A_25] : memref<4x224x128xf32, #tpu.memory_space<vmem>> -> memref<1x224x128xf32, #tpu.memory_space<vmem>>
    %dma_wait3A_27 = tpu.memref_squeeze %dma_wait3A_26 : memref<1x224x128xf32, #tpu.memory_space<vmem>> -> memref<224x128xf32, #tpu.memory_space<vmem>>
    %dma_wait3A_28 = arith.constant 0 : i32
    %dma_wait3A_29 = tpu.memref_slice %arg5[%dma_wait3A_28] : memref<3136xi32, #tpu.memory_space<vmem>> -> memref<224xi32, #tpu.memory_space<vmem>>
    %dma_wait3A_30 = arith.constant 0 : i32
    %dma_wait3A_31 = arith.constant 0 : i32
    %dma_wait3A_32 = tpu.memref_slice %arg7[%dma_wait3A_30, %dma_wait3A_31] : memref<128x128xf32, #tpu.memory_space<vmem_shared>> -> memref<128x128xf32, #tpu.memory_space<vmem_shared>>
    tpu.wait_indirect_dma semaphore(%arg8 : memref<!tpu.dma_semaphore, #tpu.memory_space<semaphore_mem>>) src(%dma_wait3A_32 : memref<128x128xf32, #tpu.memory_space<vmem_shared>>) dst(%dma_wait3A_27 : memref<224x128xf32, #tpu.memory_space<vmem>>)
    %add3A_33 = arith.constant 0 : i32
    %add3A_34 = arith.addi %mul3A_2, %add3A_33 : i32
    %dma_start3A_35 = arith.constant 0 : i32
    %dma_start3A_36 = arith.constant 0 : i32
    %dma_start3A_37 = arith.constant 0 : i32
    %dma_start3A_38 = tpu.memref_slice %arg6[%dma_start3A_35, %dma_start3A_36, %dma_start3A_37] : memref<4x224x128xf32, #tpu.memory_space<vmem>> -> memref<1x224x128xf32, #tpu.memory_space<vmem>>
    %dma_start3A_39 = tpu.memref_squeeze %dma_start3A_38 : memref<1x224x128xf32, #tpu.memory_space<vmem>> -> memref<224x128xf32, #tpu.memory_space<vmem>>
    %dma_start3A_40 = arith.constant 0 : i32
    %dma_start3A_41 = tpu.memref_slice %arg4[%add3A_34, %dma_start3A_40] : memref<100352x128xf32, #tpu.memory_space<hbm>> -> memref<224x128xf32, #tpu.memory_space<hbm>>
    %dma_start3A_42 = arith.constant 0 : i32
    %dma_start3A_43 = tpu.memref_slice %arg4[%add3A_34, %dma_start3A_42] : memref<100352x128xf32, #tpu.memory_space<hbm>> -> memref<224x128xf32, #tpu.memory_space<hbm>>
    %dma_start3A_44 = arith.constant 0 : i32
    %dma_start3A_45 = arith.constant 0 : i32
    %dma_start3A_46 = tpu.memref_slice %arg6[%dma_start3A_35, %dma_start3A_44, %dma_start3A_45] : memref<4x224x128xf32, #tpu.memory_space<vmem>> -> memref<1x224x128xf32, #tpu.memory_space<vmem>>
    %dma_start3A_47 = tpu.memref_squeeze %dma_start3A_46 : memref<1x224x128xf32, #tpu.memory_space<vmem>> -> memref<224x128xf32, #tpu.memory_space<vmem>>
    tpu.enqueue_dma source(%dma_start3A_47 : memref<224x128xf32, #tpu.memory_space<vmem>>) target(%dma_start3A_43 : memref<224x128xf32, #tpu.memory_space<hbm>>) target_semaphore(%arg9 : memref<!tpu.dma_semaphore, #tpu.memory_space<semaphore_mem>>)
    %dma_start3A_48 = arith.constant 2 : i32
    %dma_start3A_49 = arith.constant 0 : i32
    %dma_start3A_50 = arith.constant 0 : i32
    %dma_start3A_51 = tpu.memref_slice %arg6[%dma_start3A_48, %dma_start3A_49, %dma_start3A_50] : memref<4x224x128xf32, #tpu.memory_space<vmem>> -> memref<1x224x128xf32, #tpu.memory_space<vmem>>
    %dma_start3A_52 = tpu.memref_squeeze %dma_start3A_51 : memref<1x224x128xf32, #tpu.memory_space<vmem>> -> memref<224x128xf32, #tpu.memory_space<vmem>>
    %dma_start3A_53 = arith.constant 448 : i32
    %dma_start3A_54 = tpu.memref_slice %arg5[%dma_start3A_53] : memref<3136xi32, #tpu.memory_space<vmem>> -> memref<224xi32, #tpu.memory_space<vmem>>
    %dma_start3A_55 = arith.constant 0 : i32
    %dma_start3A_56 = arith.constant 0 : i32
    %dma_start3A_57 = tpu.memref_slice %arg7[%dma_start3A_55, %dma_start3A_56] : memref<128x128xf32, #tpu.memory_space<vmem_shared>> -> memref<128x128xf32, #tpu.memory_space<vmem_shared>>
    tpu.enqueue_indirect_dma source(%dma_start3A_57 : memref<128x128xf32, #tpu.memory_space<vmem_shared>>) target(%dma_start3A_52 : memref<224x128xf32, #tpu.memory_space<vmem>>) offsets(%dma_start3A_54 : memref<224xi32, #tpu.memory_space<vmem>>) semaphore(%arg8 : memref<!tpu.dma_semaphore, #tpu.memory_space<semaphore_mem>>)
    %dma_wait3A_58 = arith.constant 1 : i32
    %dma_wait3A_59 = arith.constant 0 : i32
    %dma_wait3A_60 = arith.constant 0 : i32
    %dma_wait3A_61 = tpu.memref_slice %arg6[%dma_wait3A_58, %dma_wait3A_59, %dma_wait3A_60] : memref<4x224x128xf32, #tpu.memory_space<vmem>> -> memref<1x224x128xf32, #tpu.memory_space<vmem>>
    %dma_wait3A_62 = tpu.memref_squeeze %dma_wait3A_61 : memref<1x224x128xf32, #tpu.memory_space<vmem>> -> memref<224x128xf32, #tpu.memory_space<vmem>>
    %dma_wait3A_63 = arith.constant 224 : i32
    %dma_wait3A_64 = tpu.memref_slice %arg5[%dma_wait3A_63] : memref<3136xi32, #tpu.memory_space<vmem>> -> memref<224xi32, #tpu.memory_space<vmem>>
    %dma_wait3A_65 = arith.constant 0 : i32
    %dma_wait3A_66 = arith.constant 0 : i32
    %dma_wait3A_67 = tpu.memref_slice %arg7[%dma_wait3A_65, %dma_wait3A_66] : memref<128x128xf32, #tpu.memory_space<vmem_shared>> -> memref<128x128xf32, #tpu.memory_space<vmem_shared>>
    tpu.wait_indirect_dma semaphore(%arg8 : memref<!tpu.dma_semaphore, #tpu.memory_space<semaphore_mem>>) src(%dma_wait3A_67 : memref<128x128xf32, #tpu.memory_space<vmem_shared>>) dst(%dma_wait3A_62 : memref<224x128xf32, #tpu.memory_space<vmem>>)
    %add3A_68 = arith.constant 224 : i32
    %add3A_69 = arith.addi %mul3A_2, %add3A_68 : i32
    %dma_start3A_70 = arith.constant 1 : i32
    %dma_start3A_71 = arith.constant 0 : i32
    %dma_start3A_72 = arith.constant 0 : i32
    %dma_start3A_73 = tpu.memref_slice %arg6[%dma_start3A_70, %dma_start3A_71, %dma_start3A_72] : memref<4x224x128xf32, #tpu.memory_space<vmem>> -> memref<1x224x128xf32, #tpu.memory_space<vmem>>
    %dma_start3A_74 = tpu.memref_squeeze %dma_start3A_73 : memref<1x224x128xf32, #tpu.memory_space<vmem>> -> memref<224x128xf32, #tpu.memory_space<vmem>>
    %dma_start3A_75 = arith.constant 0 : i32
    %dma_start3A_76 = tpu.memref_slice %arg4[%add3A_69, %dma_start3A_75] : memref<100352x128xf32, #tpu.memory_space<hbm>> -> memref<224x128xf32, #tpu.memory_space<hbm>>
    %dma_start3A_77 = arith.constant 0 : i32
    %dma_start3A_78 = tpu.memref_slice %arg4[%add3A_69, %dma_start3A_77] : memref<100352x128xf32, #tpu.memory_space<hbm>> -> memref<224x128xf32, #tpu.memory_space<hbm>>
    %dma_start3A_79 = arith.constant 0 : i32
    %dma_start3A_80 = arith.constant 0 : i32
    %dma_start3A_81 = tpu.memref_slice %arg6[%dma_start3A_70, %dma_start3A_79, %dma_start3A_80] : memref<4x224x128xf32, #tpu.memory_space<vmem>> -> memref<1x224x128xf32, #tpu.memory_space<vmem>>
    %dma_start3A_82 = tpu.memref_squeeze %dma_start3A_81 : memref<1x224x128xf32, #tpu.memory_space<vmem>> -> memref<224x128xf32, #tpu.memory_space<vmem>>
    tpu.enqueue_dma source(%dma_start3A_82 : memref<224x128xf32, #tpu.memory_space<vmem>>) target(%dma_start3A_78 : memref<224x128xf32, #tpu.memory_space<hbm>>) target_semaphore(%arg9 : memref<!tpu.dma_semaphore, #tpu.memory_space<semaphore_mem>>)
    %dma_start3A_83 = arith.constant 3 : i32
    %dma_start3A_84 = arith.constant 0 : i32
    %dma_start3A_85 = arith.constant 0 : i32
    %dma_start3A_86 = tpu.memref_slice %arg6[%dma_start3A_83, %dma_start3A_84, %dma_start3A_85] : memref<4x224x128xf32, #tpu.memory_space<vmem>> -> memref<1x224x128xf32, #tpu.memory_space<vmem>>
    %dma_start3A_87 = tpu.memref_squeeze %dma_start3A_86 : memref<1x224x128xf32, #tpu.memory_space<vmem>> -> memref<224x128xf32, #tpu.memory_space<vmem>>
    %dma_start3A_88 = arith.constant 672 : i32
    %dma_start3A_89 = tpu.memref_slice %arg5[%dma_start3A_88] : memref<3136xi32, #tpu.memory_space<vmem>> -> memref<224xi32, #tpu.memory_space<vmem>>
    %dma_start3A_90 = arith.constant 0 : i32
    %dma_start3A_91 = arith.constant 0 : i32
    %dma_start3A_92 = tpu.memref_slice %arg7[%dma_start3A_90, %dma_start3A_91] : memref<128x128xf32, #tpu.memory_space<vmem_shared>> -> memref<128x128xf32, #tpu.memory_space<vmem_shared>>
    tpu.enqueue_indirect_dma source(%dma_start3A_92 : memref<128x128xf32, #tpu.memory_space<vmem_shared>>) target(%dma_start3A_87 : memref<224x128xf32, #tpu.memory_space<vmem>>) offsets(%dma_start3A_89 : memref<224xi32, #tpu.memory_space<vmem>>) semaphore(%arg8 : memref<!tpu.dma_semaphore, #tpu.memory_space<semaphore_mem>>)
    %dma_wait3A_93 = arith.constant 2 : i32
    %dma_wait3A_94 = arith.constant 0 : i32
    %dma_wait3A_95 = arith.constant 0 : i32
    %dma_wait3A_96 = tpu.memref_slice %arg6[%dma_wait3A_93, %dma_wait3A_94, %dma_wait3A_95] : memref<4x224x128xf32, #tpu.memory_space<vmem>> -> memref<1x224x128xf32, #tpu.memory_space<vmem>>
    %dma_wait3A_97 = tpu.memref_squeeze %dma_wait3A_96 : memref<1x224x128xf32, #tpu.memory_space<vmem>> -> memref<224x128xf32, #tpu.memory_space<vmem>>
    %dma_wait3A_98 = arith.constant 448 : i32
    %dma_wait3A_99 = tpu.memref_slice %arg5[%dma_wait3A_98] : memref<3136xi32, #tpu.memory_space<vmem>> -> memref<224xi32, #tpu.memory_space<vmem>>
    %dma_wait3A_100 = arith.constant 0 : i32
    %dma_wait3A_101 = arith.constant 0 : i32
    %dma_wait3A_102 = tpu.memref_slice %arg7[%dma_wait3A_100, %dma_wait3A_101] : memref<128x128xf32, #tpu.memory_space<vmem_shared>> -> memref<128x128xf32, #tpu.memory_space<vmem_shared>>
    tpu.wait_indirect_dma semaphore(%arg8 : memref<!tpu.dma_semaphore, #tpu.memory_space<semaphore_mem>>) src(%dma_wait3A_102 : memref<128x128xf32, #tpu.memory_space<vmem_shared>>) dst(%dma_wait3A_97 : memref<224x128xf32, #tpu.memory_space<vmem>>)
    %add3A_103 = arith.constant 448 : i32
    %add3A_104 = arith.addi %mul3A_2, %add3A_103 : i32
    %dma_start3A_105 = arith.constant 2 : i32
    %dma_start3A_106 = arith.constant 0 : i32
    %dma_start3A_107 = arith.constant 0 : i32
    %dma_start3A_108 = tpu.memref_slice %arg6[%dma_start3A_105, %dma_start3A_106, %dma_start3A_107] : memref<4x224x128xf32, #tpu.memory_space<vmem>> -> memref<1x224x128xf32, #tpu.memory_space<vmem>>
    %dma_start3A_109 = tpu.memref_squeeze %dma_start3A_108 : memref<1x224x128xf32, #tpu.memory_space<vmem>> -> memref<224x128xf32, #tpu.memory_space<vmem>>
    %dma_start3A_110 = arith.constant 0 : i32
    %dma_start3A_111 = tpu.memref_slice %arg4[%add3A_104, %dma_start3A_110] : memref<100352x128xf32, #tpu.memory_space<hbm>> -> memref<224x128xf32, #tpu.memory_space<hbm>>
    %dma_start3A_112 = arith.constant 0 : i32
    %dma_start3A_113 = tpu.memref_slice %arg4[%add3A_104, %dma_start3A_112] : memref<100352x128xf32, #tpu.memory_space<hbm>> -> memref<224x128xf32, #tpu.memory_space<hbm>>
    %dma_start3A_114 = arith.constant 0 : i32
    %dma_start3A_115 = arith.constant 0 : i32
    %dma_start3A_116 = tpu.memref_slice %arg6[%dma_start3A_105, %dma_start3A_114, %dma_start3A_115] : memref<4x224x128xf32, #tpu.memory_space<vmem>> -> memref<1x224x128xf32, #tpu.memory_space<vmem>>
    %dma_start3A_117 = tpu.memref_squeeze %dma_start3A_116 : memref<1x224x128xf32, #tpu.memory_space<vmem>> -> memref<224x128xf32, #tpu.memory_space<vmem>>
    tpu.enqueue_dma source(%dma_start3A_117 : memref<224x128xf32, #tpu.memory_space<vmem>>) target(%dma_start3A_113 : memref<224x128xf32, #tpu.memory_space<hbm>>) target_semaphore(%arg9 : memref<!tpu.dma_semaphore, #tpu.memory_space<semaphore_mem>>)
    %dma_wait3A_118 = arith.constant 0 : i32
    %dma_wait3A_119 = arith.constant 0 : i32
    %dma_wait3A_120 = arith.constant 0 : i32
    %dma_wait3A_121 = tpu.memref_slice %arg6[%dma_wait3A_118, %dma_wait3A_119, %dma_wait3A_120] : memref<4x224x128xf32, #tpu.memory_space<vmem>> -> memref<1x224x128xf32, #tpu.memory_space<vmem>>
    %dma_wait3A_122 = tpu.memref_squeeze %dma_wait3A_121 : memref<1x224x128xf32, #tpu.memory_space<vmem>> -> memref<224x128xf32, #tpu.memory_space<vmem>>
    %dma_wait3A_123 = arith.constant 0 : i32
    %dma_wait3A_124 = tpu.memref_slice %arg4[%add3A_34, %dma_wait3A_123] : memref<100352x128xf32, #tpu.memory_space<hbm>> -> memref<224x128xf32, #tpu.memory_space<hbm>>
    %dma_wait3A_125 = arith.constant 0 : i32
    %dma_wait3A_126 = tpu.memref_slice %arg4[%add3A_34, %dma_wait3A_125] : memref<100352x128xf32, #tpu.memory_space<hbm>> -> memref<224x128xf32, #tpu.memory_space<hbm>>
    %dma_wait3A_127 = arith.constant 0 : i32
    %dma_wait3A_128 = arith.constant 0 : i32
    %dma_wait3A_129 = tpu.memref_slice %arg6[%dma_wait3A_118, %dma_wait3A_127, %dma_wait3A_128] : memref<4x224x128xf32, #tpu.memory_space<vmem>> -> memref<1x224x128xf32, #tpu.memory_space<vmem>>
    %dma_wait3A_130 = tpu.memref_squeeze %dma_wait3A_129 : memref<1x224x128xf32, #tpu.memory_space<vmem>> -> memref<224x128xf32, #tpu.memory_space<vmem>>
    tpu.wait_dma2 semaphore(%arg9 : memref<!tpu.dma_semaphore, #tpu.memory_space<semaphore_mem>>) src(%dma_wait3A_130 : memref<224x128xf32, #tpu.memory_space<vmem>>) dst(%dma_wait3A_126 : memref<224x128xf32, #tpu.memory_space<hbm>>)
    %dma_start3A_131 = arith.constant 0 : i32
    %dma_start3A_132 = arith.constant 0 : i32
    %dma_start3A_133 = arith.constant 0 : i32
    %dma_start3A_134 = tpu.memref_slice %arg6[%dma_start3A_131, %dma_start3A_132, %dma_start3A_133] : memref<4x224x128xf32, #tpu.memory_space<vmem>> -> memref<1x224x128xf32, #tpu.memory_space<vmem>>
    %dma_start3A_135 = tpu.memref_squeeze %dma_start3A_134 : memref<1x224x128xf32, #tpu.memory_space<vmem>> -> memref<224x128xf32, #tpu.memory_space<vmem>>
    %dma_start3A_136 = arith.constant 896 : i32
    %dma_start3A_137 = tpu.memref_slice %arg5[%dma_start3A_136] : memref<3136xi32, #tpu.memory_space<vmem>> -> memref<224xi32, #tpu.memory_space<vmem>>
    %dma_start3A_138 = arith.constant 0 : i32
    %dma_start3A_139 = arith.constant 0 : i32
    %dma_start3A_140 = tpu.memref_slice %arg7[%dma_start3A_138, %dma_start3A_139] : memref<128x128xf32, #tpu.memory_space<vmem_shared>> -> memref<128x128xf32, #tpu.memory_space<vmem_shared>>
    tpu.enqueue_indirect_dma source(%dma_start3A_140 : memref<128x128xf32, #tpu.memory_space<vmem_shared>>) target(%dma_start3A_135 : memref<224x128xf32, #tpu.memory_space<vmem>>) offsets(%dma_start3A_137 : memref<224xi32, #tpu.memory_space<vmem>>) semaphore(%arg8 : memref<!tpu.dma_semaphore, #tpu.memory_space<semaphore_mem>>)
    %dma_wait3A_141 = arith.constant 3 : i32
    %dma_wait3A_142 = arith.constant 0 : i32
    %dma_wait3A_143 = arith.constant 0 : i32
    %dma_wait3A_144 = tpu.memref_slice %arg6[%dma_wait3A_141, %dma_wait3A_142, %dma_wait3A_143] : memref<4x224x128xf32, #tpu.memory_space<vmem>> -> memref<1x224x128xf32, #tpu.memory_space<vmem>>
    %dma_wait3A_145 = tpu.memref_squeeze %dma_wait3A_144 : memref<1x224x128xf32, #tpu.memory_space<vmem>> -> memref<224x128xf32, #tpu.memory_space<vmem>>
    %dma_wait3A_146 = arith.constant 672 : i32
    %dma_wait3A_147 = tpu.memref_slice %arg5[%dma_wait3A_146] : memref<3136xi32, #tpu.memory_space<vmem>> -> memref<224xi32, #tpu.memory_space<vmem>>
    %dma_wait3A_148 = arith.constant 0 : i32
    %dma_wait3A_149 = arith.constant 0 : i32
    %dma_wait3A_150 = tpu.memref_slice %arg7[%dma_wait3A_148, %dma_wait3A_149] : memref<128x128xf32, #tpu.memory_space<vmem_shared>> -> memref<128x128xf32, #tpu.memory_space<vmem_shared>>
    tpu.wait_indirect_dma semaphore(%arg8 : memref<!tpu.dma_semaphore, #tpu.memory_space<semaphore_mem>>) src(%dma_wait3A_150 : memref<128x128xf32, #tpu.memory_space<vmem_shared>>) dst(%dma_wait3A_145 : memref<224x128xf32, #tpu.memory_space<vmem>>)
    %add3A_151 = arith.constant 672 : i32
    %add3A_152 = arith.addi %mul3A_2, %add3A_151 : i32
    %dma_start3A_153 = arith.constant 3 : i32
    %dma_start3A_154 = arith.constant 0 : i32
    %dma_start3A_155 = arith.constant 0 : i32
    %dma_start3A_156 = tpu.memref_slice %arg6[%dma_start3A_153, %dma_start3A_154, %dma_start3A_155] : memref<4x224x128xf32, #tpu.memory_space<vmem>> -> memref<1x224x128xf32, #tpu.memory_space<vmem>>
    %dma_start3A_157 = tpu.memref_squeeze %dma_start3A_156 : memref<1x224x128xf32, #tpu.memory_space<vmem>> -> memref<224x128xf32, #tpu.memory_space<vmem>>
    %dma_start3A_158 = arith.constant 0 : i32
    %dma_start3A_159 = tpu.memref_slice %arg4[%add3A_152, %dma_start3A_158] : memref<100352x128xf32, #tpu.memory_space<hbm>> -> memref<224x128xf32, #tpu.memory_space<hbm>>
    %dma_start3A_160 = arith.constant 0 : i32
    %dma_start3A_161 = tpu.memref_slice %arg4[%add3A_152, %dma_start3A_160] : memref<100352x128xf32, #tpu.memory_space<hbm>> -> memref<224x128xf32, #tpu.memory_space<hbm>>
    %dma_start3A_162 = arith.constant 0 : i32
    %dma_start3A_163 = arith.constant 0 : i32
    %dma_start3A_164 = tpu.memref_slice %arg6[%dma_start3A_153, %dma_start3A_162, %dma_start3A_163] : memref<4x224x128xf32, #tpu.memory_space<vmem>> -> memref<1x224x128xf32, #tpu.memory_space<vmem>>
    %dma_start3A_165 = tpu.memref_squeeze %dma_start3A_164 : memref<1x224x128xf32, #tpu.memory_space<vmem>> -> memref<224x128xf32, #tpu.memory_space<vmem>>
    tpu.enqueue_dma source(%dma_start3A_165 : memref<224x128xf32, #tpu.memory_space<vmem>>) target(%dma_start3A_161 : memref<224x128xf32, #tpu.memory_space<hbm>>) target_semaphore(%arg9 : memref<!tpu.dma_semaphore, #tpu.memory_space<semaphore_mem>>)
    %dma_wait3A_166 = arith.constant 1 : i32
    %dma_wait3A_167 = arith.constant 0 : i32
    %dma_wait3A_168 = arith.constant 0 : i32
    %dma_wait3A_169 = tpu.memref_slice %arg6[%dma_wait3A_166, %dma_wait3A_167, %dma_wait3A_168] : memref<4x224x128xf32, #tpu.memory_space<vmem>> -> memref<1x224x128xf32, #tpu.memory_space<vmem>>
    %dma_wait3A_170 = tpu.memref_squeeze %dma_wait3A_169 : memref<1x224x128xf32, #tpu.memory_space<vmem>> -> memref<224x128xf32, #tpu.memory_space<vmem>>
    %dma_wait3A_171 = arith.constant 0 : i32
    %dma_wait3A_172 = tpu.memref_slice %arg4[%add3A_69, %dma_wait3A_171] : memref<100352x128xf32, #tpu.memory_space<hbm>> -> memref<224x128xf32, #tpu.memory_space<hbm>>
    %dma_wait3A_173 = arith.constant 0 : i32
    %dma_wait3A_174 = tpu.memref_slice %arg4[%add3A_69, %dma_wait3A_173] : memref<100352x128xf32, #tpu.memory_space<hbm>> -> memref<224x128xf32, #tpu.memory_space<hbm>>
    %dma_wait3A_175 = arith.constant 0 : i32
    %dma_wait3A_176 = arith.constant 0 : i32
    %dma_wait3A_177 = tpu.memref_slice %arg6[%dma_wait3A_166, %dma_wait3A_175, %dma_wait3A_176] : memref<4x224x128xf32, #tpu.memory_space<vmem>> -> memref<1x224x128xf32, #tpu.memory_space<vmem>>
    %dma_wait3A_178 = tpu.memref_squeeze %dma_wait3A_177 : memref<1x224x128xf32, #tpu.memory_space<vmem>> -> memref<224x128xf32, #tpu.memory_space<vmem>>
    tpu.wait_dma2 semaphore(%arg9 : memref<!tpu.dma_semaphore, #tpu.memory_space<semaphore_mem>>) src(%dma_wait3A_178 : memref<224x128xf32, #tpu.memory_space<vmem>>) dst(%dma_wait3A_174 : memref<224x128xf32, #tpu.memory_space<hbm>>)
    %dma_start3A_179 = arith.constant 1 : i32
    %dma_start3A_180 = arith.constant 0 : i32
    %dma_start3A_181 = arith.constant 0 : i32
    %dma_start3A_182 = tpu.memref_slice %arg6[%dma_start3A_179, %dma_start3A_180, %dma_start3A_181] : memref<4x224x128xf32, #tpu.memory_space<vmem>> -> memref<1x224x128xf32, #tpu.memory_space<vmem>>
    %dma_start3A_183 = tpu.memref_squeeze %dma_start3A_182 : memref<1x224x128xf32, #tpu.memory_space<vmem>> -> memref<224x128xf32, #tpu.memory_space<vmem>>
    %dma_start3A_184 = arith.constant 1120 : i32
    %dma_start3A_185 = tpu.memref_slice %arg5[%dma_start3A_184] : memref<3136xi32, #tpu.memory_space<vmem>> -> memref<224xi32, #tpu.memory_space<vmem>>
    %dma_start3A_186 = arith.constant 0 : i32
    %dma_start3A_187 = arith.constant 0 : i32
    %dma_start3A_188 = tpu.memref_slice %arg7[%dma_start3A_186, %dma_start3A_187] : memref<128x128xf32, #tpu.memory_space<vmem_shared>> -> memref<128x128xf32, #tpu.memory_space<vmem_shared>>
    tpu.enqueue_indirect_dma source(%dma_start3A_188 : memref<128x128xf32, #tpu.memory_space<vmem_shared>>) target(%dma_start3A_183 : memref<224x128xf32, #tpu.memory_space<vmem>>) offsets(%dma_start3A_185 : memref<224xi32, #tpu.memory_space<vmem>>) semaphore(%arg8 : memref<!tpu.dma_semaphore, #tpu.memory_space<semaphore_mem>>)
    %dma_wait3A_189 = arith.constant 0 : i32
    %dma_wait3A_190 = arith.constant 0 : i32
    %dma_wait3A_191 = arith.constant 0 : i32
    %dma_wait3A_192 = tpu.memref_slice %arg6[%dma_wait3A_189, %dma_wait3A_190, %dma_wait3A_191] : memref<4x224x128xf32, #tpu.memory_space<vmem>> -> memref<1x224x128xf32, #tpu.memory_space<vmem>>
    %dma_wait3A_193 = tpu.memref_squeeze %dma_wait3A_192 : memref<1x224x128xf32, #tpu.memory_space<vmem>> -> memref<224x128xf32, #tpu.memory_space<vmem>>
    %dma_wait3A_194 = arith.constant 896 : i32
    %dma_wait3A_195 = tpu.memref_slice %arg5[%dma_wait3A_194] : memref<3136xi32, #tpu.memory_space<vmem>> -> memref<224xi32, #tpu.memory_space<vmem>>
    %dma_wait3A_196 = arith.constant 0 : i32
    %dma_wait3A_197 = arith.constant 0 : i32
    %dma_wait3A_198 = tpu.memref_slice %arg7[%dma_wait3A_196, %dma_wait3A_197] : memref<128x128xf32, #tpu.memory_space<vmem_shared>> -> memref<128x128xf32, #tpu.memory_space<vmem_shared>>
    tpu.wait_indirect_dma semaphore(%arg8 : memref<!tpu.dma_semaphore, #tpu.memory_space<semaphore_mem>>) src(%dma_wait3A_198 : memref<128x128xf32, #tpu.memory_space<vmem_shared>>) dst(%dma_wait3A_193 : memref<224x128xf32, #tpu.memory_space<vmem>>)
    %add3A_199 = arith.constant 896 : i32
    %add3A_200 = arith.addi %mul3A_2, %add3A_199 : i32
    %dma_start3A_201 = arith.constant 0 : i32
    %dma_start3A_202 = arith.constant 0 : i32
    %dma_start3A_203 = arith.constant 0 : i32
    %dma_start3A_204 = tpu.memref_slice %arg6[%dma_start3A_201, %dma_start3A_202, %dma_start3A_203] : memref<4x224x128xf32, #tpu.memory_space<vmem>> -> memref<1x224x128xf32, #tpu.memory_space<vmem>>
    %dma_start3A_205 = tpu.memref_squeeze %dma_start3A_204 : memref<1x224x128xf32, #tpu.memory_space<vmem>> -> memref<224x128xf32, #tpu.memory_space<vmem>>
    %dma_start3A_206 = arith.constant 0 : i32
    %dma_start3A_207 = tpu.memref_slice %arg4[%add3A_200, %dma_start3A_206] : memref<100352x128xf32, #tpu.memory_space<hbm>> -> memref<224x128xf32, #tpu.memory_space<hbm>>
    %dma_start3A_208 = arith.constant 0 : i32
    %dma_start3A_209 = tpu.memref_slice %arg4[%add3A_200, %dma_start3A_208] : memref<100352x128xf32, #tpu.memory_space<hbm>> -> memref<224x128xf32, #tpu.memory_space<hbm>>
    %dma_start3A_210 = arith.constant 0 : i32
    %dma_start3A_211 = arith.constant 0 : i32
    %dma_start3A_212 = tpu.memref_slice %arg6[%dma_start3A_201, %dma_start3A_210, %dma_start3A_211] : memref<4x224x128xf32, #tpu.memory_space<vmem>> -> memref<1x224x128xf32, #tpu.memory_space<vmem>>
    %dma_start3A_213 = tpu.memref_squeeze %dma_start3A_212 : memref<1x224x128xf32, #tpu.memory_space<vmem>> -> memref<224x128xf32, #tpu.memory_space<vmem>>
    tpu.enqueue_dma source(%dma_start3A_213 : memref<224x128xf32, #tpu.memory_space<vmem>>) target(%dma_start3A_209 : memref<224x128xf32, #tpu.memory_space<hbm>>) target_semaphore(%arg9 : memref<!tpu.dma_semaphore, #tpu.memory_space<semaphore_mem>>)
    %dma_wait3A_214 = arith.constant 2 : i32
    %dma_wait3A_215 = arith.constant 0 : i32
    %dma_wait3A_216 = arith.constant 0 : i32
    %dma_wait3A_217 = tpu.memref_slice %arg6[%dma_wait3A_214, %dma_wait3A_215, %dma_wait3A_216] : memref<4x224x128xf32, #tpu.memory_space<vmem>> -> memref<1x224x128xf32, #tpu.memory_space<vmem>>
    %dma_wait3A_218 = tpu.memref_squeeze %dma_wait3A_217 : memref<1x224x128xf32, #tpu.memory_space<vmem>> -> memref<224x128xf32, #tpu.memory_space<vmem>>
    %dma_wait3A_219 = arith.constant 0 : i32
    %dma_wait3A_220 = tpu.memref_slice %arg4[%add3A_104, %dma_wait3A_219] : memref<100352x128xf32, #tpu.memory_space<hbm>> -> memref<224x128xf32, #tpu.memory_space<hbm>>
    %dma_wait3A_221 = arith.constant 0 : i32
    %dma_wait3A_222 = tpu.memref_slice %arg4[%add3A_104, %dma_wait3A_221] : memref<100352x128xf32, #tpu.memory_space<hbm>> -> memref<224x128xf32, #tpu.memory_space<hbm>>
    %dma_wait3A_223 = arith.constant 0 : i32
    %dma_wait3A_224 = arith.constant 0 : i32
    %dma_wait3A_225 = tpu.memref_slice %arg6[%dma_wait3A_214, %dma_wait3A_223, %dma_wait3A_224] : memref<4x224x128xf32, #tpu.memory_space<vmem>> -> memref<1x224x128xf32, #tpu.memory_space<vmem>>
    %dma_wait3A_226 = tpu.memref_squeeze %dma_wait3A_225 : memref<1x224x128xf32, #tpu.memory_space<vmem>> -> memref<224x128xf32, #tpu.memory_space<vmem>>
    tpu.wait_dma2 semaphore(%arg9 : memref<!tpu.dma_semaphore, #tpu.memory_space<semaphore_mem>>) src(%dma_wait3A_226 : memref<224x128xf32, #tpu.memory_space<vmem>>) dst(%dma_wait3A_222 : memref<224x128xf32, #tpu.memory_space<hbm>>)
    %dma_start3A_227 = arith.constant 2 : i32
    %dma_start3A_228 = arith.constant 0 : i32
    %dma_start3A_229 = arith.constant 0 : i32
    %dma_start3A_230 = tpu.memref_slice %arg6[%dma_start3A_227, %dma_start3A_228, %dma_start3A_229] : memref<4x224x128xf32, #tpu.memory_space<vmem>> -> memref<1x224x128xf32, #tpu.memory_space<vmem>>
    %dma_start3A_231 = tpu.memref_squeeze %dma_start3A_230 : memref<1x224x128xf32, #tpu.memory_space<vmem>> -> memref<224x128xf32, #tpu.memory_space<vmem>>
    %dma_start3A_232 = arith.constant 1344 : i32
    %dma_start3A_233 = tpu.memref_slice %arg5[%dma_start3A_232] : memref<3136xi32, #tpu.memory_space<vmem>> -> memref<224xi32, #tpu.memory_space<vmem>>
    %dma_start3A_234 = arith.constant 0 : i32
    %dma_start3A_235 = arith.constant 0 : i32
    %dma_start3A_236 = tpu.memref_slice %arg7[%dma_start3A_234, %dma_start3A_235] : memref<128x128xf32, #tpu.memory_space<vmem_shared>> -> memref<128x128xf32, #tpu.memory_space<vmem_shared>>
    tpu.enqueue_indirect_dma source(%dma_start3A_236 : memref<128x128xf32, #tpu.memory_space<vmem_shared>>) target(%dma_start3A_231 : memref<224x128xf32, #tpu.memory_space<vmem>>) offsets(%dma_start3A_233 : memref<224xi32, #tpu.memory_space<vmem>>) semaphore(%arg8 : memref<!tpu.dma_semaphore, #tpu.memory_space<semaphore_mem>>)
    %dma_wait3A_237 = arith.constant 1 : i32
    %dma_wait3A_238 = arith.constant 0 : i32
    %dma_wait3A_239 = arith.constant 0 : i32
    %dma_wait3A_240 = tpu.memref_slice %arg6[%dma_wait3A_237, %dma_wait3A_238, %dma_wait3A_239] : memref<4x224x128xf32, #tpu.memory_space<vmem>> -> memref<1x224x128xf32, #tpu.memory_space<vmem>>
    %dma_wait3A_241 = tpu.memref_squeeze %dma_wait3A_240 : memref<1x224x128xf32, #tpu.memory_space<vmem>> -> memref<224x128xf32, #tpu.memory_space<vmem>>
    %dma_wait3A_242 = arith.constant 1120 : i32
    %dma_wait3A_243 = tpu.memref_slice %arg5[%dma_wait3A_242] : memref<3136xi32, #tpu.memory_space<vmem>> -> memref<224xi32, #tpu.memory_space<vmem>>
    %dma_wait3A_244 = arith.constant 0 : i32
    %dma_wait3A_245 = arith.constant 0 : i32
    %dma_wait3A_246 = tpu.memref_slice %arg7[%dma_wait3A_244, %dma_wait3A_245] : memref<128x128xf32, #tpu.memory_space<vmem_shared>> -> memref<128x128xf32, #tpu.memory_space<vmem_shared>>
    tpu.wait_indirect_dma semaphore(%arg8 : memref<!tpu.dma_semaphore, #tpu.memory_space<semaphore_mem>>) src(%dma_wait3A_246 : memref<128x128xf32, #tpu.memory_space<vmem_shared>>) dst(%dma_wait3A_241 : memref<224x128xf32, #tpu.memory_space<vmem>>)
    %add3A_247 = arith.constant 1120 : i32
    %add3A_248 = arith.addi %mul3A_2, %add3A_247 : i32
    %dma_start3A_249 = arith.constant 1 : i32
    %dma_start3A_250 = arith.constant 0 : i32
    %dma_start3A_251 = arith.constant 0 : i32
    %dma_start3A_252 = tpu.memref_slice %arg6[%dma_start3A_249, %dma_start3A_250, %dma_start3A_251] : memref<4x224x128xf32, #tpu.memory_space<vmem>> -> memref<1x224x128xf32, #tpu.memory_space<vmem>>
    %dma_start3A_253 = tpu.memref_squeeze %dma_start3A_252 : memref<1x224x128xf32, #tpu.memory_space<vmem>> -> memref<224x128xf32, #tpu.memory_space<vmem>>
    %dma_start3A_254 = arith.constant 0 : i32
    %dma_start3A_255 = tpu.memref_slice %arg4[%add3A_248, %dma_start3A_254] : memref<100352x128xf32, #tpu.memory_space<hbm>> -> memref<224x128xf32, #tpu.memory_space<hbm>>
    %dma_start3A_256 = arith.constant 0 : i32
    %dma_start3A_257 = tpu.memref_slice %arg4[%add3A_248, %dma_start3A_256] : memref<100352x128xf32, #tpu.memory_space<hbm>> -> memref<224x128xf32, #tpu.memory_space<hbm>>
    %dma_start3A_258 = arith.constant 0 : i32
    %dma_start3A_259 = arith.constant 0 : i32
    %dma_start3A_260 = tpu.memref_slice %arg6[%dma_start3A_249, %dma_start3A_258, %dma_start3A_259] : memref<4x224x128xf32, #tpu.memory_space<vmem>> -> memref<1x224x128xf32, #tpu.memory_space<vmem>>
    %dma_start3A_261 = tpu.memref_squeeze %dma_start3A_260 : memref<1x224x128xf32, #tpu.memory_space<vmem>> -> memref<224x128xf32, #tpu.memory_space<vmem>>
    tpu.enqueue_dma source(%dma_start3A_261 : memref<224x128xf32, #tpu.memory_space<vmem>>) target(%dma_start3A_257 : memref<224x128xf32, #tpu.memory_space<hbm>>) target_semaphore(%arg9 : memref<!tpu.dma_semaphore, #tpu.memory_space<semaphore_mem>>)
    %dma_wait3A_262 = arith.constant 3 : i32
    %dma_wait3A_263 = arith.constant 0 : i32
    %dma_wait3A_264 = arith.constant 0 : i32
    %dma_wait3A_265 = tpu.memref_slice %arg6[%dma_wait3A_262, %dma_wait3A_263, %dma_wait3A_264] : memref<4x224x128xf32, #tpu.memory_space<vmem>> -> memref<1x224x128xf32, #tpu.memory_space<vmem>>
    %dma_wait3A_266 = tpu.memref_squeeze %dma_wait3A_265 : memref<1x224x128xf32, #tpu.memory_space<vmem>> -> memref<224x128xf32, #tpu.memory_space<vmem>>
    %dma_wait3A_267 = arith.constant 0 : i32
    %dma_wait3A_268 = tpu.memref_slice %arg4[%add3A_152, %dma_wait3A_267] : memref<100352x128xf32, #tpu.memory_space<hbm>> -> memref<224x128xf32, #tpu.memory_space<hbm>>
    %dma_wait3A_269 = arith.constant 0 : i32
    %dma_wait3A_270 = tpu.memref_slice %arg4[%add3A_152, %dma_wait3A_269] : memref<100352x128xf32, #tpu.memory_space<hbm>> -> memref<224x128xf32, #tpu.memory_space<hbm>>
    %dma_wait3A_271 = arith.constant 0 : i32
    %dma_wait3A_272 = arith.constant 0 : i32
    %dma_wait3A_273 = tpu.memref_slice %arg6[%dma_wait3A_262, %dma_wait3A_271, %dma_wait3A_272] : memref<4x224x128xf32, #tpu.memory_space<vmem>> -> memref<1x224x128xf32, #tpu.memory_space<vmem>>
    %dma_wait3A_274 = tpu.memref_squeeze %dma_wait3A_273 : memref<1x224x128xf32, #tpu.memory_space<vmem>> -> memref<224x128xf32, #tpu.memory_space<vmem>>
    tpu.wait_dma2 semaphore(%arg9 : memref<!tpu.dma_semaphore, #tpu.memory_space<semaphore_mem>>) src(%dma_wait3A_274 : memref<224x128xf32, #tpu.memory_space<vmem>>) dst(%dma_wait3A_270 : memref<224x128xf32, #tpu.memory_space<hbm>>)
    %dma_start3A_275 = arith.constant 3 : i32
    %dma_start3A_276 = arith.constant 0 : i32
    %dma_start3A_277 = arith.constant 0 : i32
    %dma_start3A_278 = tpu.memref_slice %arg6[%dma_start3A_275, %dma_start3A_276, %dma_start3A_277] : memref<4x224x128xf32, #tpu.memory_space<vmem>> -> memref<1x224x128xf32, #tpu.memory_space<vmem>>
    %dma_start3A_279 = tpu.memref_squeeze %dma_start3A_278 : memref<1x224x128xf32, #tpu.memory_space<vmem>> -> memref<224x128xf32, #tpu.memory_space<vmem>>
    %dma_start3A_280 = arith.constant 1568 : i32
    %dma_start3A_281 = tpu.memref_slice %arg5[%dma_start3A_280] : memref<3136xi32, #tpu.memory_space<vmem>> -> memref<224xi32, #tpu.memory_space<vmem>>
    %dma_start3A_282 = arith.constant 0 : i32
    %dma_start3A_283 = arith.constant 0 : i32
    %dma_start3A_284 = tpu.memref_slice %arg7[%dma_start3A_282, %dma_start3A_283] : memref<128x128xf32, #tpu.memory_space<vmem_shared>> -> memref<128x128xf32, #tpu.memory_space<vmem_shared>>
    tpu.enqueue_indirect_dma source(%dma_start3A_284 : memref<128x128xf32, #tpu.memory_space<vmem_shared>>) target(%dma_start3A_279 : memref<224x128xf32, #tpu.memory_space<vmem>>) offsets(%dma_start3A_281 : memref<224xi32, #tpu.memory_space<vmem>>) semaphore(%arg8 : memref<!tpu.dma_semaphore, #tpu.memory_space<semaphore_mem>>)
    %dma_wait3A_285 = arith.constant 2 : i32
    %dma_wait3A_286 = arith.constant 0 : i32
    %dma_wait3A_287 = arith.constant 0 : i32
    %dma_wait3A_288 = tpu.memref_slice %arg6[%dma_wait3A_285, %dma_wait3A_286, %dma_wait3A_287] : memref<4x224x128xf32, #tpu.memory_space<vmem>> -> memref<1x224x128xf32, #tpu.memory_space<vmem>>
    %dma_wait3A_289 = tpu.memref_squeeze %dma_wait3A_288 : memref<1x224x128xf32, #tpu.memory_space<vmem>> -> memref<224x128xf32, #tpu.memory_space<vmem>>
    %dma_wait3A_290 = arith.constant 1344 : i32
    %dma_wait3A_291 = tpu.memref_slice %arg5[%dma_wait3A_290] : memref<3136xi32, #tpu.memory_space<vmem>> -> memref<224xi32, #tpu.memory_space<vmem>>
    %dma_wait3A_292 = arith.constant 0 : i32
    %dma_wait3A_293 = arith.constant 0 : i32
    %dma_wait3A_294 = tpu.memref_slice %arg7[%dma_wait3A_292, %dma_wait3A_293] : memref<128x128xf32, #tpu.memory_space<vmem_shared>> -> memref<128x128xf32, #tpu.memory_space<vmem_shared>>
    tpu.wait_indirect_dma semaphore(%arg8 : memref<!tpu.dma_semaphore, #tpu.memory_space<semaphore_mem>>) src(%dma_wait3A_294 : memref<128x128xf32, #tpu.memory_space<vmem_shared>>) dst(%dma_wait3A_289 : memref<224x128xf32, #tpu.memory_space<vmem>>)
    %add3A_295 = arith.constant 1344 : i32
    %add3A_296 = arith.addi %mul3A_2, %add3A_295 : i32
    %dma_start3A_297 = arith.constant 2 : i32
    %dma_start3A_298 = arith.constant 0 : i32
    %dma_start3A_299 = arith.constant 0 : i32
    %dma_start3A_300 = tpu.memref_slice %arg6[%dma_start3A_297, %dma_start3A_298, %dma_start3A_299] : memref<4x224x128xf32, #tpu.memory_space<vmem>> -> memref<1x224x128xf32, #tpu.memory_space<vmem>>
    %dma_start3A_301 = tpu.memref_squeeze %dma_start3A_300 : memref<1x224x128xf32, #tpu.memory_space<vmem>> -> memref<224x128xf32, #tpu.memory_space<vmem>>
    %dma_start3A_302 = arith.constant 0 : i32
    %dma_start3A_303 = tpu.memref_slice %arg4[%add3A_296, %dma_start3A_302] : memref<100352x128xf32, #tpu.memory_space<hbm>> -> memref<224x128xf32, #tpu.memory_space<hbm>>
    %dma_start3A_304 = arith.constant 0 : i32
    %dma_start3A_305 = tpu.memref_slice %arg4[%add3A_296, %dma_start3A_304] : memref<100352x128xf32, #tpu.memory_space<hbm>> -> memref<224x128xf32, #tpu.memory_space<hbm>>
    %dma_start3A_306 = arith.constant 0 : i32
    %dma_start3A_307 = arith.constant 0 : i32
    %dma_start3A_308 = tpu.memref_slice %arg6[%dma_start3A_297, %dma_start3A_306, %dma_start3A_307] : memref<4x224x128xf32, #tpu.memory_space<vmem>> -> memref<1x224x128xf32, #tpu.memory_space<vmem>>
    %dma_start3A_309 = tpu.memref_squeeze %dma_start3A_308 : memref<1x224x128xf32, #tpu.memory_space<vmem>> -> memref<224x128xf32, #tpu.memory_space<vmem>>
    tpu.enqueue_dma source(%dma_start3A_309 : memref<224x128xf32, #tpu.memory_space<vmem>>) target(%dma_start3A_305 : memref<224x128xf32, #tpu.memory_space<hbm>>) target_semaphore(%arg9 : memref<!tpu.dma_semaphore, #tpu.memory_space<semaphore_mem>>)
    %dma_wait3A_310 = arith.constant 0 : i32
    %dma_wait3A_311 = arith.constant 0 : i32
    %dma_wait3A_312 = arith.constant 0 : i32
    %dma_wait3A_313 = tpu.memref_slice %arg6[%dma_wait3A_310, %dma_wait3A_311, %dma_wait3A_312] : memref<4x224x128xf32, #tpu.memory_space<vmem>> -> memref<1x224x128xf32, #tpu.memory_space<vmem>>
    %dma_wait3A_314 = tpu.memref_squeeze %dma_wait3A_313 : memref<1x224x128xf32, #tpu.memory_space<vmem>> -> memref<224x128xf32, #tpu.memory_space<vmem>>
    %dma_wait3A_315 = arith.constant 0 : i32
    %dma_wait3A_316 = tpu.memref_slice %arg4[%add3A_200, %dma_wait3A_315] : memref<100352x128xf32, #tpu.memory_space<hbm>> -> memref<224x128xf32, #tpu.memory_space<hbm>>
    %dma_wait3A_317 = arith.constant 0 : i32
    %dma_wait3A_318 = tpu.memref_slice %arg4[%add3A_200, %dma_wait3A_317] : memref<100352x128xf32, #tpu.memory_space<hbm>> -> memref<224x128xf32, #tpu.memory_space<hbm>>
    %dma_wait3A_319 = arith.constant 0 : i32
    %dma_wait3A_320 = arith.constant 0 : i32
    %dma_wait3A_321 = tpu.memref_slice %arg6[%dma_wait3A_310, %dma_wait3A_319, %dma_wait3A_320] : memref<4x224x128xf32, #tpu.memory_space<vmem>> -> memref<1x224x128xf32, #tpu.memory_space<vmem>>
    %dma_wait3A_322 = tpu.memref_squeeze %dma_wait3A_321 : memref<1x224x128xf32, #tpu.memory_space<vmem>> -> memref<224x128xf32, #tpu.memory_space<vmem>>
    tpu.wait_dma2 semaphore(%arg9 : memref<!tpu.dma_semaphore, #tpu.memory_space<semaphore_mem>>) src(%dma_wait3A_322 : memref<224x128xf32, #tpu.memory_space<vmem>>) dst(%dma_wait3A_318 : memref<224x128xf32, #tpu.memory_space<hbm>>)
    %dma_start3A_323 = arith.constant 0 : i32
    %dma_start3A_324 = arith.constant 0 : i32
    %dma_start3A_325 = arith.constant 0 : i32
    %dma_start3A_326 = tpu.memref_slice %arg6[%dma_start3A_323, %dma_start3A_324, %dma_start3A_325] : memref<4x224x128xf32, #tpu.memory_space<vmem>> -> memref<1x224x128xf32, #tpu.memory_space<vmem>>
    %dma_start3A_327 = tpu.memref_squeeze %dma_start3A_326 : memref<1x224x128xf32, #tpu.memory_space<vmem>> -> memref<224x128xf32, #tpu.memory_space<vmem>>
    %dma_start3A_328 = arith.constant 1792 : i32
    %dma_start3A_329 = tpu.memref_slice %arg5[%dma_start3A_328] : memref<3136xi32, #tpu.memory_space<vmem>> -> memref<224xi32, #tpu.memory_space<vmem>>
    %dma_start3A_330 = arith.constant 0 : i32
    %dma_start3A_331 = arith.constant 0 : i32
    %dma_start3A_332 = tpu.memref_slice %arg7[%dma_start3A_330, %dma_start3A_331] : memref<128x128xf32, #tpu.memory_space<vmem_shared>> -> memref<128x128xf32, #tpu.memory_space<vmem_shared>>
    tpu.enqueue_indirect_dma source(%dma_start3A_332 : memref<128x128xf32, #tpu.memory_space<vmem_shared>>) target(%dma_start3A_327 : memref<224x128xf32, #tpu.memory_space<vmem>>) offsets(%dma_start3A_329 : memref<224xi32, #tpu.memory_space<vmem>>) semaphore(%arg8 : memref<!tpu.dma_semaphore, #tpu.memory_space<semaphore_mem>>)
    %dma_wait3A_333 = arith.constant 3 : i32
    %dma_wait3A_334 = arith.constant 0 : i32
    %dma_wait3A_335 = arith.constant 0 : i32
    %dma_wait3A_336 = tpu.memref_slice %arg6[%dma_wait3A_333, %dma_wait3A_334, %dma_wait3A_335] : memref<4x224x128xf32, #tpu.memory_space<vmem>> -> memref<1x224x128xf32, #tpu.memory_space<vmem>>
    %dma_wait3A_337 = tpu.memref_squeeze %dma_wait3A_336 : memref<1x224x128xf32, #tpu.memory_space<vmem>> -> memref<224x128xf32, #tpu.memory_space<vmem>>
    %dma_wait3A_338 = arith.constant 1568 : i32
    %dma_wait3A_339 = tpu.memref_slice %arg5[%dma_wait3A_338] : memref<3136xi32, #tpu.memory_space<vmem>> -> memref<224xi32, #tpu.memory_space<vmem>>
    %dma_wait3A_340 = arith.constant 0 : i32
    %dma_wait3A_341 = arith.constant 0 : i32
    %dma_wait3A_342 = tpu.memref_slice %arg7[%dma_wait3A_340, %dma_wait3A_341] : memref<128x128xf32, #tpu.memory_space<vmem_shared>> -> memref<128x128xf32, #tpu.memory_space<vmem_shared>>
    tpu.wait_indirect_dma semaphore(%arg8 : memref<!tpu.dma_semaphore, #tpu.memory_space<semaphore_mem>>) src(%dma_wait3A_342 : memref<128x128xf32, #tpu.memory_space<vmem_shared>>) dst(%dma_wait3A_337 : memref<224x128xf32, #tpu.memory_space<vmem>>)
    %add3A_343 = arith.constant 1568 : i32
    %add3A_344 = arith.addi %mul3A_2, %add3A_343 : i32
    %dma_start3A_345 = arith.constant 3 : i32
    %dma_start3A_346 = arith.constant 0 : i32
    %dma_start3A_347 = arith.constant 0 : i32
    %dma_start3A_348 = tpu.memref_slice %arg6[%dma_start3A_345, %dma_start3A_346, %dma_start3A_347] : memref<4x224x128xf32, #tpu.memory_space<vmem>> -> memref<1x224x128xf32, #tpu.memory_space<vmem>>
    %dma_start3A_349 = tpu.memref_squeeze %dma_start3A_348 : memref<1x224x128xf32, #tpu.memory_space<vmem>> -> memref<224x128xf32, #tpu.memory_space<vmem>>
    %dma_start3A_350 = arith.constant 0 : i32
    %dma_start3A_351 = tpu.memref_slice %arg4[%add3A_344, %dma_start3A_350] : memref<100352x128xf32, #tpu.memory_space<hbm>> -> memref<224x128xf32, #tpu.memory_space<hbm>>
    %dma_start3A_352 = arith.constant 0 : i32
    %dma_start3A_353 = tpu.memref_slice %arg4[%add3A_344, %dma_start3A_352] : memref<100352x128xf32, #tpu.memory_space<hbm>> -> memref<224x128xf32, #tpu.memory_space<hbm>>
    %dma_start3A_354 = arith.constant 0 : i32
    %dma_start3A_355 = arith.constant 0 : i32
    %dma_start3A_356 = tpu.memref_slice %arg6[%dma_start3A_345, %dma_start3A_354, %dma_start3A_355] : memref<4x224x128xf32, #tpu.memory_space<vmem>> -> memref<1x224x128xf32, #tpu.memory_space<vmem>>
    %dma_start3A_357 = tpu.memref_squeeze %dma_start3A_356 : memref<1x224x128xf32, #tpu.memory_space<vmem>> -> memref<224x128xf32, #tpu.memory_space<vmem>>
    tpu.enqueue_dma source(%dma_start3A_357 : memref<224x128xf32, #tpu.memory_space<vmem>>) target(%dma_start3A_353 : memref<224x128xf32, #tpu.memory_space<hbm>>) target_semaphore(%arg9 : memref<!tpu.dma_semaphore, #tpu.memory_space<semaphore_mem>>)
    %dma_wait3A_358 = arith.constant 1 : i32
    %dma_wait3A_359 = arith.constant 0 : i32
    %dma_wait3A_360 = arith.constant 0 : i32
    %dma_wait3A_361 = tpu.memref_slice %arg6[%dma_wait3A_358, %dma_wait3A_359, %dma_wait3A_360] : memref<4x224x128xf32, #tpu.memory_space<vmem>> -> memref<1x224x128xf32, #tpu.memory_space<vmem>>
    %dma_wait3A_362 = tpu.memref_squeeze %dma_wait3A_361 : memref<1x224x128xf32, #tpu.memory_space<vmem>> -> memref<224x128xf32, #tpu.memory_space<vmem>>
    %dma_wait3A_363 = arith.constant 0 : i32
    %dma_wait3A_364 = tpu.memref_slice %arg4[%add3A_248, %dma_wait3A_363] : memref<100352x128xf32, #tpu.memory_space<hbm>> -> memref<224x128xf32, #tpu.memory_space<hbm>>
    %dma_wait3A_365 = arith.constant 0 : i32
    %dma_wait3A_366 = tpu.memref_slice %arg4[%add3A_248, %dma_wait3A_365] : memref<100352x128xf32, #tpu.memory_space<hbm>> -> memref<224x128xf32, #tpu.memory_space<hbm>>
    %dma_wait3A_367 = arith.constant 0 : i32
    %dma_wait3A_368 = arith.constant 0 : i32
    %dma_wait3A_369 = tpu.memref_slice %arg6[%dma_wait3A_358, %dma_wait3A_367, %dma_wait3A_368] : memref<4x224x128xf32, #tpu.memory_space<vmem>> -> memref<1x224x128xf32, #tpu.memory_space<vmem>>
    %dma_wait3A_370 = tpu.memref_squeeze %dma_wait3A_369 : memref<1x224x128xf32, #tpu.memory_space<vmem>> -> memref<224x128xf32, #tpu.memory_space<vmem>>
    tpu.wait_dma2 semaphore(%arg9 : memref<!tpu.dma_semaphore, #tpu.memory_space<semaphore_mem>>) src(%dma_wait3A_370 : memref<224x128xf32, #tpu.memory_space<vmem>>) dst(%dma_wait3A_366 : memref<224x128xf32, #tpu.memory_space<hbm>>)
    %dma_start3A_371 = arith.constant 1 : i32
    %dma_start3A_372 = arith.constant 0 : i32
    %dma_start3A_373 = arith.constant 0 : i32
    %dma_start3A_374 = tpu.memref_slice %arg6[%dma_start3A_371, %dma_start3A_372, %dma_start3A_373] : memref<4x224x128xf32, #tpu.memory_space<vmem>> -> memref<1x224x128xf32, #tpu.memory_space<vmem>>
    %dma_start3A_375 = tpu.memref_squeeze %dma_start3A_374 : memref<1x224x128xf32, #tpu.memory_space<vmem>> -> memref<224x128xf32, #tpu.memory_space<vmem>>
    %dma_start3A_376 = arith.constant 2016 : i32
    %dma_start3A_377 = tpu.memref_slice %arg5[%dma_start3A_376] : memref<3136xi32, #tpu.memory_space<vmem>> -> memref<224xi32, #tpu.memory_space<vmem>>
    %dma_start3A_378 = arith.constant 0 : i32
    %dma_start3A_379 = arith.constant 0 : i32
    %dma_start3A_380 = tpu.memref_slice %arg7[%dma_start3A_378, %dma_start3A_379] : memref<128x128xf32, #tpu.memory_space<vmem_shared>> -> memref<128x128xf32, #tpu.memory_space<vmem_shared>>
    tpu.enqueue_indirect_dma source(%dma_start3A_380 : memref<128x128xf32, #tpu.memory_space<vmem_shared>>) target(%dma_start3A_375 : memref<224x128xf32, #tpu.memory_space<vmem>>) offsets(%dma_start3A_377 : memref<224xi32, #tpu.memory_space<vmem>>) semaphore(%arg8 : memref<!tpu.dma_semaphore, #tpu.memory_space<semaphore_mem>>)
    %dma_wait3A_381 = arith.constant 0 : i32
    %dma_wait3A_382 = arith.constant 0 : i32
    %dma_wait3A_383 = arith.constant 0 : i32
    %dma_wait3A_384 = tpu.memref_slice %arg6[%dma_wait3A_381, %dma_wait3A_382, %dma_wait3A_383] : memref<4x224x128xf32, #tpu.memory_space<vmem>> -> memref<1x224x128xf32, #tpu.memory_space<vmem>>
    %dma_wait3A_385 = tpu.memref_squeeze %dma_wait3A_384 : memref<1x224x128xf32, #tpu.memory_space<vmem>> -> memref<224x128xf32, #tpu.memory_space<vmem>>
    %dma_wait3A_386 = arith.constant 1792 : i32
    %dma_wait3A_387 = tpu.memref_slice %arg5[%dma_wait3A_386] : memref<3136xi32, #tpu.memory_space<vmem>> -> memref<224xi32, #tpu.memory_space<vmem>>
    %dma_wait3A_388 = arith.constant 0 : i32
    %dma_wait3A_389 = arith.constant 0 : i32
    %dma_wait3A_390 = tpu.memref_slice %arg7[%dma_wait3A_388, %dma_wait3A_389] : memref<128x128xf32, #tpu.memory_space<vmem_shared>> -> memref<128x128xf32, #tpu.memory_space<vmem_shared>>
    tpu.wait_indirect_dma semaphore(%arg8 : memref<!tpu.dma_semaphore, #tpu.memory_space<semaphore_mem>>) src(%dma_wait3A_390 : memref<128x128xf32, #tpu.memory_space<vmem_shared>>) dst(%dma_wait3A_385 : memref<224x128xf32, #tpu.memory_space<vmem>>)
    %add3A_391 = arith.constant 1792 : i32
    %add3A_392 = arith.addi %mul3A_2, %add3A_391 : i32
    %dma_start3A_393 = arith.constant 0 : i32
    %dma_start3A_394 = arith.constant 0 : i32
    %dma_start3A_395 = arith.constant 0 : i32
    %dma_start3A_396 = tpu.memref_slice %arg6[%dma_start3A_393, %dma_start3A_394, %dma_start3A_395] : memref<4x224x128xf32, #tpu.memory_space<vmem>> -> memref<1x224x128xf32, #tpu.memory_space<vmem>>
    %dma_start3A_397 = tpu.memref_squeeze %dma_start3A_396 : memref<1x224x128xf32, #tpu.memory_space<vmem>> -> memref<224x128xf32, #tpu.memory_space<vmem>>
    %dma_start3A_398 = arith.constant 0 : i32
    %dma_start3A_399 = tpu.memref_slice %arg4[%add3A_392, %dma_start3A_398] : memref<100352x128xf32, #tpu.memory_space<hbm>> -> memref<224x128xf32, #tpu.memory_space<hbm>>
    %dma_start3A_400 = arith.constant 0 : i32
    %dma_start3A_401 = tpu.memref_slice %arg4[%add3A_392, %dma_start3A_400] : memref<100352x128xf32, #tpu.memory_space<hbm>> -> memref<224x128xf32, #tpu.memory_space<hbm>>
    %dma_start3A_402 = arith.constant 0 : i32
    %dma_start3A_403 = arith.constant 0 : i32
    %dma_start3A_404 = tpu.memref_slice %arg6[%dma_start3A_393, %dma_start3A_402, %dma_start3A_403] : memref<4x224x128xf32, #tpu.memory_space<vmem>> -> memref<1x224x128xf32, #tpu.memory_space<vmem>>
    %dma_start3A_405 = tpu.memref_squeeze %dma_start3A_404 : memref<1x224x128xf32, #tpu.memory_space<vmem>> -> memref<224x128xf32, #tpu.memory_space<vmem>>
    tpu.enqueue_dma source(%dma_start3A_405 : memref<224x128xf32, #tpu.memory_space<vmem>>) target(%dma_start3A_401 : memref<224x128xf32, #tpu.memory_space<hbm>>) target_semaphore(%arg9 : memref<!tpu.dma_semaphore, #tpu.memory_space<semaphore_mem>>)
    %dma_wait3A_406 = arith.constant 2 : i32
    %dma_wait3A_407 = arith.constant 0 : i32
    %dma_wait3A_408 = arith.constant 0 : i32
    %dma_wait3A_409 = tpu.memref_slice %arg6[%dma_wait3A_406, %dma_wait3A_407, %dma_wait3A_408] : memref<4x224x128xf32, #tpu.memory_space<vmem>> -> memref<1x224x128xf32, #tpu.memory_space<vmem>>
    %dma_wait3A_410 = tpu.memref_squeeze %dma_wait3A_409 : memref<1x224x128xf32, #tpu.memory_space<vmem>> -> memref<224x128xf32, #tpu.memory_space<vmem>>
    %dma_wait3A_411 = arith.constant 0 : i32
    %dma_wait3A_412 = tpu.memref_slice %arg4[%add3A_296, %dma_wait3A_411] : memref<100352x128xf32, #tpu.memory_space<hbm>> -> memref<224x128xf32, #tpu.memory_space<hbm>>
    %dma_wait3A_413 = arith.constant 0 : i32
    %dma_wait3A_414 = tpu.memref_slice %arg4[%add3A_296, %dma_wait3A_413] : memref<100352x128xf32, #tpu.memory_space<hbm>> -> memref<224x128xf32, #tpu.memory_space<hbm>>
    %dma_wait3A_415 = arith.constant 0 : i32
    %dma_wait3A_416 = arith.constant 0 : i32
    %dma_wait3A_417 = tpu.memref_slice %arg6[%dma_wait3A_406, %dma_wait3A_415, %dma_wait3A_416] : memref<4x224x128xf32, #tpu.memory_space<vmem>> -> memref<1x224x128xf32, #tpu.memory_space<vmem>>
    %dma_wait3A_418 = tpu.memref_squeeze %dma_wait3A_417 : memref<1x224x128xf32, #tpu.memory_space<vmem>> -> memref<224x128xf32, #tpu.memory_space<vmem>>
    tpu.wait_dma2 semaphore(%arg9 : memref<!tpu.dma_semaphore, #tpu.memory_space<semaphore_mem>>) src(%dma_wait3A_418 : memref<224x128xf32, #tpu.memory_space<vmem>>) dst(%dma_wait3A_414 : memref<224x128xf32, #tpu.memory_space<hbm>>)
    %dma_start3A_419 = arith.constant 2 : i32
    %dma_start3A_420 = arith.constant 0 : i32
    %dma_start3A_421 = arith.constant 0 : i32
    %dma_start3A_422 = tpu.memref_slice %arg6[%dma_start3A_419, %dma_start3A_420, %dma_start3A_421] : memref<4x224x128xf32, #tpu.memory_space<vmem>> -> memref<1x224x128xf32, #tpu.memory_space<vmem>>
    %dma_start3A_423 = tpu.memref_squeeze %dma_start3A_422 : memref<1x224x128xf32, #tpu.memory_space<vmem>> -> memref<224x128xf32, #tpu.memory_space<vmem>>
    %dma_start3A_424 = arith.constant 2240 : i32
    %dma_start3A_425 = tpu.memref_slice %arg5[%dma_start3A_424] : memref<3136xi32, #tpu.memory_space<vmem>> -> memref<224xi32, #tpu.memory_space<vmem>>
    %dma_start3A_426 = arith.constant 0 : i32
    %dma_start3A_427 = arith.constant 0 : i32
    %dma_start3A_428 = tpu.memref_slice %arg7[%dma_start3A_426, %dma_start3A_427] : memref<128x128xf32, #tpu.memory_space<vmem_shared>> -> memref<128x128xf32, #tpu.memory_space<vmem_shared>>
    tpu.enqueue_indirect_dma source(%dma_start3A_428 : memref<128x128xf32, #tpu.memory_space<vmem_shared>>) target(%dma_start3A_423 : memref<224x128xf32, #tpu.memory_space<vmem>>) offsets(%dma_start3A_425 : memref<224xi32, #tpu.memory_space<vmem>>) semaphore(%arg8 : memref<!tpu.dma_semaphore, #tpu.memory_space<semaphore_mem>>)
    %dma_wait3A_429 = arith.constant 1 : i32
    %dma_wait3A_430 = arith.constant 0 : i32
    %dma_wait3A_431 = arith.constant 0 : i32
    %dma_wait3A_432 = tpu.memref_slice %arg6[%dma_wait3A_429, %dma_wait3A_430, %dma_wait3A_431] : memref<4x224x128xf32, #tpu.memory_space<vmem>> -> memref<1x224x128xf32, #tpu.memory_space<vmem>>
    %dma_wait3A_433 = tpu.memref_squeeze %dma_wait3A_432 : memref<1x224x128xf32, #tpu.memory_space<vmem>> -> memref<224x128xf32, #tpu.memory_space<vmem>>
    %dma_wait3A_434 = arith.constant 2016 : i32
    %dma_wait3A_435 = tpu.memref_slice %arg5[%dma_wait3A_434] : memref<3136xi32, #tpu.memory_space<vmem>> -> memref<224xi32, #tpu.memory_space<vmem>>
    %dma_wait3A_436 = arith.constant 0 : i32
    %dma_wait3A_437 = arith.constant 0 : i32
    %dma_wait3A_438 = tpu.memref_slice %arg7[%dma_wait3A_436, %dma_wait3A_437] : memref<128x128xf32, #tpu.memory_space<vmem_shared>> -> memref<128x128xf32, #tpu.memory_space<vmem_shared>>
    tpu.wait_indirect_dma semaphore(%arg8 : memref<!tpu.dma_semaphore, #tpu.memory_space<semaphore_mem>>) src(%dma_wait3A_438 : memref<128x128xf32, #tpu.memory_space<vmem_shared>>) dst(%dma_wait3A_433 : memref<224x128xf32, #tpu.memory_space<vmem>>)
    %add3A_439 = arith.constant 2016 : i32
    %add3A_440 = arith.addi %mul3A_2, %add3A_439 : i32
    %dma_start3A_441 = arith.constant 1 : i32
    %dma_start3A_442 = arith.constant 0 : i32
    %dma_start3A_443 = arith.constant 0 : i32
    %dma_start3A_444 = tpu.memref_slice %arg6[%dma_start3A_441, %dma_start3A_442, %dma_start3A_443] : memref<4x224x128xf32, #tpu.memory_space<vmem>> -> memref<1x224x128xf32, #tpu.memory_space<vmem>>
    %dma_start3A_445 = tpu.memref_squeeze %dma_start3A_444 : memref<1x224x128xf32, #tpu.memory_space<vmem>> -> memref<224x128xf32, #tpu.memory_space<vmem>>
    %dma_start3A_446 = arith.constant 0 : i32
    %dma_start3A_447 = tpu.memref_slice %arg4[%add3A_440, %dma_start3A_446] : memref<100352x128xf32, #tpu.memory_space<hbm>> -> memref<224x128xf32, #tpu.memory_space<hbm>>
    %dma_start3A_448 = arith.constant 0 : i32
    %dma_start3A_449 = tpu.memref_slice %arg4[%add3A_440, %dma_start3A_448] : memref<100352x128xf32, #tpu.memory_space<hbm>> -> memref<224x128xf32, #tpu.memory_space<hbm>>
    %dma_start3A_450 = arith.constant 0 : i32
    %dma_start3A_451 = arith.constant 0 : i32
    %dma_start3A_452 = tpu.memref_slice %arg6[%dma_start3A_441, %dma_start3A_450, %dma_start3A_451] : memref<4x224x128xf32, #tpu.memory_space<vmem>> -> memref<1x224x128xf32, #tpu.memory_space<vmem>>
    %dma_start3A_453 = tpu.memref_squeeze %dma_start3A_452 : memref<1x224x128xf32, #tpu.memory_space<vmem>> -> memref<224x128xf32, #tpu.memory_space<vmem>>
    tpu.enqueue_dma source(%dma_start3A_453 : memref<224x128xf32, #tpu.memory_space<vmem>>) target(%dma_start3A_449 : memref<224x128xf32, #tpu.memory_space<hbm>>) target_semaphore(%arg9 : memref<!tpu.dma_semaphore, #tpu.memory_space<semaphore_mem>>)
    %dma_wait3A_454 = arith.constant 3 : i32
    %dma_wait3A_455 = arith.constant 0 : i32
    %dma_wait3A_456 = arith.constant 0 : i32
    %dma_wait3A_457 = tpu.memref_slice %arg6[%dma_wait3A_454, %dma_wait3A_455, %dma_wait3A_456] : memref<4x224x128xf32, #tpu.memory_space<vmem>> -> memref<1x224x128xf32, #tpu.memory_space<vmem>>
    %dma_wait3A_458 = tpu.memref_squeeze %dma_wait3A_457 : memref<1x224x128xf32, #tpu.memory_space<vmem>> -> memref<224x128xf32, #tpu.memory_space<vmem>>
    %dma_wait3A_459 = arith.constant 0 : i32
    %dma_wait3A_460 = tpu.memref_slice %arg4[%add3A_344, %dma_wait3A_459] : memref<100352x128xf32, #tpu.memory_space<hbm>> -> memref<224x128xf32, #tpu.memory_space<hbm>>
    %dma_wait3A_461 = arith.constant 0 : i32
    %dma_wait3A_462 = tpu.memref_slice %arg4[%add3A_344, %dma_wait3A_461] : memref<100352x128xf32, #tpu.memory_space<hbm>> -> memref<224x128xf32, #tpu.memory_space<hbm>>
    %dma_wait3A_463 = arith.constant 0 : i32
    %dma_wait3A_464 = arith.constant 0 : i32
    %dma_wait3A_465 = tpu.memref_slice %arg6[%dma_wait3A_454, %dma_wait3A_463, %dma_wait3A_464] : memref<4x224x128xf32, #tpu.memory_space<vmem>> -> memref<1x224x128xf32, #tpu.memory_space<vmem>>
    %dma_wait3A_466 = tpu.memref_squeeze %dma_wait3A_465 : memref<1x224x128xf32, #tpu.memory_space<vmem>> -> memref<224x128xf32, #tpu.memory_space<vmem>>
    tpu.wait_dma2 semaphore(%arg9 : memref<!tpu.dma_semaphore, #tpu.memory_space<semaphore_mem>>) src(%dma_wait3A_466 : memref<224x128xf32, #tpu.memory_space<vmem>>) dst(%dma_wait3A_462 : memref<224x128xf32, #tpu.memory_space<hbm>>)
    %dma_start3A_467 = arith.constant 3 : i32
    %dma_start3A_468 = arith.constant 0 : i32
    %dma_start3A_469 = arith.constant 0 : i32
    %dma_start3A_470 = tpu.memref_slice %arg6[%dma_start3A_467, %dma_start3A_468, %dma_start3A_469] : memref<4x224x128xf32, #tpu.memory_space<vmem>> -> memref<1x224x128xf32, #tpu.memory_space<vmem>>
    %dma_start3A_471 = tpu.memref_squeeze %dma_start3A_470 : memref<1x224x128xf32, #tpu.memory_space<vmem>> -> memref<224x128xf32, #tpu.memory_space<vmem>>
    %dma_start3A_472 = arith.constant 2464 : i32
    %dma_start3A_473 = tpu.memref_slice %arg5[%dma_start3A_472] : memref<3136xi32, #tpu.memory_space<vmem>> -> memref<224xi32, #tpu.memory_space<vmem>>
    %dma_start3A_474 = arith.constant 0 : i32
    %dma_start3A_475 = arith.constant 0 : i32
    %dma_start3A_476 = tpu.memref_slice %arg7[%dma_start3A_474, %dma_start3A_475] : memref<128x128xf32, #tpu.memory_space<vmem_shared>> -> memref<128x128xf32, #tpu.memory_space<vmem_shared>>
    tpu.enqueue_indirect_dma source(%dma_start3A_476 : memref<128x128xf32, #tpu.memory_space<vmem_shared>>) target(%dma_start3A_471 : memref<224x128xf32, #tpu.memory_space<vmem>>) offsets(%dma_start3A_473 : memref<224xi32, #tpu.memory_space<vmem>>) semaphore(%arg8 : memref<!tpu.dma_semaphore, #tpu.memory_space<semaphore_mem>>)
    %dma_wait3A_477 = arith.constant 2 : i32
    %dma_wait3A_478 = arith.constant 0 : i32
    %dma_wait3A_479 = arith.constant 0 : i32
    %dma_wait3A_480 = tpu.memref_slice %arg6[%dma_wait3A_477, %dma_wait3A_478, %dma_wait3A_479] : memref<4x224x128xf32, #tpu.memory_space<vmem>> -> memref<1x224x128xf32, #tpu.memory_space<vmem>>
    %dma_wait3A_481 = tpu.memref_squeeze %dma_wait3A_480 : memref<1x224x128xf32, #tpu.memory_space<vmem>> -> memref<224x128xf32, #tpu.memory_space<vmem>>
    %dma_wait3A_482 = arith.constant 2240 : i32
    %dma_wait3A_483 = tpu.memref_slice %arg5[%dma_wait3A_482] : memref<3136xi32, #tpu.memory_space<vmem>> -> memref<224xi32, #tpu.memory_space<vmem>>
    %dma_wait3A_484 = arith.constant 0 : i32
    %dma_wait3A_485 = arith.constant 0 : i32
    %dma_wait3A_486 = tpu.memref_slice %arg7[%dma_wait3A_484, %dma_wait3A_485] : memref<128x128xf32, #tpu.memory_space<vmem_shared>> -> memref<128x128xf32, #tpu.memory_space<vmem_shared>>
    tpu.wait_indirect_dma semaphore(%arg8 : memref<!tpu.dma_semaphore, #tpu.memory_space<semaphore_mem>>) src(%dma_wait3A_486 : memref<128x128xf32, #tpu.memory_space<vmem_shared>>) dst(%dma_wait3A_481 : memref<224x128xf32, #tpu.memory_space<vmem>>)
    %add3A_487 = arith.constant 2240 : i32
    %add3A_488 = arith.addi %mul3A_2, %add3A_487 : i32
    %dma_start3A_489 = arith.constant 2 : i32
    %dma_start3A_490 = arith.constant 0 : i32
    %dma_start3A_491 = arith.constant 0 : i32
    %dma_start3A_492 = tpu.memref_slice %arg6[%dma_start3A_489, %dma_start3A_490, %dma_start3A_491] : memref<4x224x128xf32, #tpu.memory_space<vmem>> -> memref<1x224x128xf32, #tpu.memory_space<vmem>>
    %dma_start3A_493 = tpu.memref_squeeze %dma_start3A_492 : memref<1x224x128xf32, #tpu.memory_space<vmem>> -> memref<224x128xf32, #tpu.memory_space<vmem>>
    %dma_start3A_494 = arith.constant 0 : i32
    %dma_start3A_495 = tpu.memref_slice %arg4[%add3A_488, %dma_start3A_494] : memref<100352x128xf32, #tpu.memory_space<hbm>> -> memref<224x128xf32, #tpu.memory_space<hbm>>
    %dma_start3A_496 = arith.constant 0 : i32
    %dma_start3A_497 = tpu.memref_slice %arg4[%add3A_488, %dma_start3A_496] : memref<100352x128xf32, #tpu.memory_space<hbm>> -> memref<224x128xf32, #tpu.memory_space<hbm>>
    %dma_start3A_498 = arith.constant 0 : i32
    %dma_start3A_499 = arith.constant 0 : i32
    %dma_start3A_500 = tpu.memref_slice %arg6[%dma_start3A_489, %dma_start3A_498, %dma_start3A_499] : memref<4x224x128xf32, #tpu.memory_space<vmem>> -> memref<1x224x128xf32, #tpu.memory_space<vmem>>
    %dma_start3A_501 = tpu.memref_squeeze %dma_start3A_500 : memref<1x224x128xf32, #tpu.memory_space<vmem>> -> memref<224x128xf32, #tpu.memory_space<vmem>>
    tpu.enqueue_dma source(%dma_start3A_501 : memref<224x128xf32, #tpu.memory_space<vmem>>) target(%dma_start3A_497 : memref<224x128xf32, #tpu.memory_space<hbm>>) target_semaphore(%arg9 : memref<!tpu.dma_semaphore, #tpu.memory_space<semaphore_mem>>)
    %dma_wait3A_502 = arith.constant 0 : i32
    %dma_wait3A_503 = arith.constant 0 : i32
    %dma_wait3A_504 = arith.constant 0 : i32
    %dma_wait3A_505 = tpu.memref_slice %arg6[%dma_wait3A_502, %dma_wait3A_503, %dma_wait3A_504] : memref<4x224x128xf32, #tpu.memory_space<vmem>> -> memref<1x224x128xf32, #tpu.memory_space<vmem>>
    %dma_wait3A_506 = tpu.memref_squeeze %dma_wait3A_505 : memref<1x224x128xf32, #tpu.memory_space<vmem>> -> memref<224x128xf32, #tpu.memory_space<vmem>>
    %dma_wait3A_507 = arith.constant 0 : i32
    %dma_wait3A_508 = tpu.memref_slice %arg4[%add3A_392, %dma_wait3A_507] : memref<100352x128xf32, #tpu.memory_space<hbm>> -> memref<224x128xf32, #tpu.memory_space<hbm>>
    %dma_wait3A_509 = arith.constant 0 : i32
    %dma_wait3A_510 = tpu.memref_slice %arg4[%add3A_392, %dma_wait3A_509] : memref<100352x128xf32, #tpu.memory_space<hbm>> -> memref<224x128xf32, #tpu.memory_space<hbm>>
    %dma_wait3A_511 = arith.constant 0 : i32
    %dma_wait3A_512 = arith.constant 0 : i32
    %dma_wait3A_513 = tpu.memref_slice %arg6[%dma_wait3A_502, %dma_wait3A_511, %dma_wait3A_512] : memref<4x224x128xf32, #tpu.memory_space<vmem>> -> memref<1x224x128xf32, #tpu.memory_space<vmem>>
    %dma_wait3A_514 = tpu.memref_squeeze %dma_wait3A_513 : memref<1x224x128xf32, #tpu.memory_space<vmem>> -> memref<224x128xf32, #tpu.memory_space<vmem>>
    tpu.wait_dma2 semaphore(%arg9 : memref<!tpu.dma_semaphore, #tpu.memory_space<semaphore_mem>>) src(%dma_wait3A_514 : memref<224x128xf32, #tpu.memory_space<vmem>>) dst(%dma_wait3A_510 : memref<224x128xf32, #tpu.memory_space<hbm>>)
    %dma_start3A_515 = arith.constant 0 : i32
    %dma_start3A_516 = arith.constant 0 : i32
    %dma_start3A_517 = arith.constant 0 : i32
    %dma_start3A_518 = tpu.memref_slice %arg6[%dma_start3A_515, %dma_start3A_516, %dma_start3A_517] : memref<4x224x128xf32, #tpu.memory_space<vmem>> -> memref<1x224x128xf32, #tpu.memory_space<vmem>>
    %dma_start3A_519 = tpu.memref_squeeze %dma_start3A_518 : memref<1x224x128xf32, #tpu.memory_space<vmem>> -> memref<224x128xf32, #tpu.memory_space<vmem>>
    %dma_start3A_520 = arith.constant 2688 : i32
    %dma_start3A_521 = tpu.memref_slice %arg5[%dma_start3A_520] : memref<3136xi32, #tpu.memory_space<vmem>> -> memref<224xi32, #tpu.memory_space<vmem>>
    %dma_start3A_522 = arith.constant 0 : i32
    %dma_start3A_523 = arith.constant 0 : i32
    %dma_start3A_524 = tpu.memref_slice %arg7[%dma_start3A_522, %dma_start3A_523] : memref<128x128xf32, #tpu.memory_space<vmem_shared>> -> memref<128x128xf32, #tpu.memory_space<vmem_shared>>
    tpu.enqueue_indirect_dma source(%dma_start3A_524 : memref<128x128xf32, #tpu.memory_space<vmem_shared>>) target(%dma_start3A_519 : memref<224x128xf32, #tpu.memory_space<vmem>>) offsets(%dma_start3A_521 : memref<224xi32, #tpu.memory_space<vmem>>) semaphore(%arg8 : memref<!tpu.dma_semaphore, #tpu.memory_space<semaphore_mem>>)
    %dma_wait3A_525 = arith.constant 3 : i32
    %dma_wait3A_526 = arith.constant 0 : i32
    %dma_wait3A_527 = arith.constant 0 : i32
    %dma_wait3A_528 = tpu.memref_slice %arg6[%dma_wait3A_525, %dma_wait3A_526, %dma_wait3A_527] : memref<4x224x128xf32, #tpu.memory_space<vmem>> -> memref<1x224x128xf32, #tpu.memory_space<vmem>>
    %dma_wait3A_529 = tpu.memref_squeeze %dma_wait3A_528 : memref<1x224x128xf32, #tpu.memory_space<vmem>> -> memref<224x128xf32, #tpu.memory_space<vmem>>
    %dma_wait3A_530 = arith.constant 2464 : i32
    %dma_wait3A_531 = tpu.memref_slice %arg5[%dma_wait3A_530] : memref<3136xi32, #tpu.memory_space<vmem>> -> memref<224xi32, #tpu.memory_space<vmem>>
    %dma_wait3A_532 = arith.constant 0 : i32
    %dma_wait3A_533 = arith.constant 0 : i32
    %dma_wait3A_534 = tpu.memref_slice %arg7[%dma_wait3A_532, %dma_wait3A_533] : memref<128x128xf32, #tpu.memory_space<vmem_shared>> -> memref<128x128xf32, #tpu.memory_space<vmem_shared>>
    tpu.wait_indirect_dma semaphore(%arg8 : memref<!tpu.dma_semaphore, #tpu.memory_space<semaphore_mem>>) src(%dma_wait3A_534 : memref<128x128xf32, #tpu.memory_space<vmem_shared>>) dst(%dma_wait3A_529 : memref<224x128xf32, #tpu.memory_space<vmem>>)
    %add3A_535 = arith.constant 2464 : i32
    %add3A_536 = arith.addi %mul3A_2, %add3A_535 : i32
    %dma_start3A_537 = arith.constant 3 : i32
    %dma_start3A_538 = arith.constant 0 : i32
    %dma_start3A_539 = arith.constant 0 : i32
    %dma_start3A_540 = tpu.memref_slice %arg6[%dma_start3A_537, %dma_start3A_538, %dma_start3A_539] : memref<4x224x128xf32, #tpu.memory_space<vmem>> -> memref<1x224x128xf32, #tpu.memory_space<vmem>>
    %dma_start3A_541 = tpu.memref_squeeze %dma_start3A_540 : memref<1x224x128xf32, #tpu.memory_space<vmem>> -> memref<224x128xf32, #tpu.memory_space<vmem>>
    %dma_start3A_542 = arith.constant 0 : i32
    %dma_start3A_543 = tpu.memref_slice %arg4[%add3A_536, %dma_start3A_542] : memref<100352x128xf32, #tpu.memory_space<hbm>> -> memref<224x128xf32, #tpu.memory_space<hbm>>
    %dma_start3A_544 = arith.constant 0 : i32
    %dma_start3A_545 = tpu.memref_slice %arg4[%add3A_536, %dma_start3A_544] : memref<100352x128xf32, #tpu.memory_space<hbm>> -> memref<224x128xf32, #tpu.memory_space<hbm>>
    %dma_start3A_546 = arith.constant 0 : i32
    %dma_start3A_547 = arith.constant 0 : i32
    %dma_start3A_548 = tpu.memref_slice %arg6[%dma_start3A_537, %dma_start3A_546, %dma_start3A_547] : memref<4x224x128xf32, #tpu.memory_space<vmem>> -> memref<1x224x128xf32, #tpu.memory_space<vmem>>
    %dma_start3A_549 = tpu.memref_squeeze %dma_start3A_548 : memref<1x224x128xf32, #tpu.memory_space<vmem>> -> memref<224x128xf32, #tpu.memory_space<vmem>>
    tpu.enqueue_dma source(%dma_start3A_549 : memref<224x128xf32, #tpu.memory_space<vmem>>) target(%dma_start3A_545 : memref<224x128xf32, #tpu.memory_space<hbm>>) target_semaphore(%arg9 : memref<!tpu.dma_semaphore, #tpu.memory_space<semaphore_mem>>)
    %dma_wait3A_550 = arith.constant 1 : i32
    %dma_wait3A_551 = arith.constant 0 : i32
    %dma_wait3A_552 = arith.constant 0 : i32
    %dma_wait3A_553 = tpu.memref_slice %arg6[%dma_wait3A_550, %dma_wait3A_551, %dma_wait3A_552] : memref<4x224x128xf32, #tpu.memory_space<vmem>> -> memref<1x224x128xf32, #tpu.memory_space<vmem>>
    %dma_wait3A_554 = tpu.memref_squeeze %dma_wait3A_553 : memref<1x224x128xf32, #tpu.memory_space<vmem>> -> memref<224x128xf32, #tpu.memory_space<vmem>>
    %dma_wait3A_555 = arith.constant 0 : i32
    %dma_wait3A_556 = tpu.memref_slice %arg4[%add3A_440, %dma_wait3A_555] : memref<100352x128xf32, #tpu.memory_space<hbm>> -> memref<224x128xf32, #tpu.memory_space<hbm>>
    %dma_wait3A_557 = arith.constant 0 : i32
    %dma_wait3A_558 = tpu.memref_slice %arg4[%add3A_440, %dma_wait3A_557] : memref<100352x128xf32, #tpu.memory_space<hbm>> -> memref<224x128xf32, #tpu.memory_space<hbm>>
    %dma_wait3A_559 = arith.constant 0 : i32
    %dma_wait3A_560 = arith.constant 0 : i32
    %dma_wait3A_561 = tpu.memref_slice %arg6[%dma_wait3A_550, %dma_wait3A_559, %dma_wait3A_560] : memref<4x224x128xf32, #tpu.memory_space<vmem>> -> memref<1x224x128xf32, #tpu.memory_space<vmem>>
    %dma_wait3A_562 = tpu.memref_squeeze %dma_wait3A_561 : memref<1x224x128xf32, #tpu.memory_space<vmem>> -> memref<224x128xf32, #tpu.memory_space<vmem>>
    tpu.wait_dma2 semaphore(%arg9 : memref<!tpu.dma_semaphore, #tpu.memory_space<semaphore_mem>>) src(%dma_wait3A_562 : memref<224x128xf32, #tpu.memory_space<vmem>>) dst(%dma_wait3A_558 : memref<224x128xf32, #tpu.memory_space<hbm>>)
    %dma_start3A_563 = arith.constant 1 : i32
    %dma_start3A_564 = arith.constant 0 : i32
    %dma_start3A_565 = arith.constant 0 : i32
    %dma_start3A_566 = tpu.memref_slice %arg6[%dma_start3A_563, %dma_start3A_564, %dma_start3A_565] : memref<4x224x128xf32, #tpu.memory_space<vmem>> -> memref<1x224x128xf32, #tpu.memory_space<vmem>>
    %dma_start3A_567 = tpu.memref_squeeze %dma_start3A_566 : memref<1x224x128xf32, #tpu.memory_space<vmem>> -> memref<224x128xf32, #tpu.memory_space<vmem>>
    %dma_start3A_568 = arith.constant 2912 : i32
    %dma_start3A_569 = tpu.memref_slice %arg5[%dma_start3A_568] : memref<3136xi32, #tpu.memory_space<vmem>> -> memref<224xi32, #tpu.memory_space<vmem>>
    %dma_start3A_570 = arith.constant 0 : i32
    %dma_start3A_571 = arith.constant 0 : i32
    %dma_start3A_572 = tpu.memref_slice %arg7[%dma_start3A_570, %dma_start3A_571] : memref<128x128xf32, #tpu.memory_space<vmem_shared>> -> memref<128x128xf32, #tpu.memory_space<vmem_shared>>
    tpu.enqueue_indirect_dma source(%dma_start3A_572 : memref<128x128xf32, #tpu.memory_space<vmem_shared>>) target(%dma_start3A_567 : memref<224x128xf32, #tpu.memory_space<vmem>>) offsets(%dma_start3A_569 : memref<224xi32, #tpu.memory_space<vmem>>) semaphore(%arg8 : memref<!tpu.dma_semaphore, #tpu.memory_space<semaphore_mem>>)
    %dma_wait3A_573 = arith.constant 0 : i32
    %dma_wait3A_574 = arith.constant 0 : i32
    %dma_wait3A_575 = arith.constant 0 : i32
    %dma_wait3A_576 = tpu.memref_slice %arg6[%dma_wait3A_573, %dma_wait3A_574, %dma_wait3A_575] : memref<4x224x128xf32, #tpu.memory_space<vmem>> -> memref<1x224x128xf32, #tpu.memory_space<vmem>>
    %dma_wait3A_577 = tpu.memref_squeeze %dma_wait3A_576 : memref<1x224x128xf32, #tpu.memory_space<vmem>> -> memref<224x128xf32, #tpu.memory_space<vmem>>
    %dma_wait3A_578 = arith.constant 2688 : i32
    %dma_wait3A_579 = tpu.memref_slice %arg5[%dma_wait3A_578] : memref<3136xi32, #tpu.memory_space<vmem>> -> memref<224xi32, #tpu.memory_space<vmem>>
    %dma_wait3A_580 = arith.constant 0 : i32
    %dma_wait3A_581 = arith.constant 0 : i32
    %dma_wait3A_582 = tpu.memref_slice %arg7[%dma_wait3A_580, %dma_wait3A_581] : memref<128x128xf32, #tpu.memory_space<vmem_shared>> -> memref<128x128xf32, #tpu.memory_space<vmem_shared>>
    tpu.wait_indirect_dma semaphore(%arg8 : memref<!tpu.dma_semaphore, #tpu.memory_space<semaphore_mem>>) src(%dma_wait3A_582 : memref<128x128xf32, #tpu.memory_space<vmem_shared>>) dst(%dma_wait3A_577 : memref<224x128xf32, #tpu.memory_space<vmem>>)
    %add3A_583 = arith.constant 2688 : i32
    %add3A_584 = arith.addi %mul3A_2, %add3A_583 : i32
    %dma_start3A_585 = arith.constant 0 : i32
    %dma_start3A_586 = arith.constant 0 : i32
    %dma_start3A_587 = arith.constant 0 : i32
    %dma_start3A_588 = tpu.memref_slice %arg6[%dma_start3A_585, %dma_start3A_586, %dma_start3A_587] : memref<4x224x128xf32, #tpu.memory_space<vmem>> -> memref<1x224x128xf32, #tpu.memory_space<vmem>>
    %dma_start3A_589 = tpu.memref_squeeze %dma_start3A_588 : memref<1x224x128xf32, #tpu.memory_space<vmem>> -> memref<224x128xf32, #tpu.memory_space<vmem>>
    %dma_start3A_590 = arith.constant 0 : i32
    %dma_start3A_591 = tpu.memref_slice %arg4[%add3A_584, %dma_start3A_590] : memref<100352x128xf32, #tpu.memory_space<hbm>> -> memref<224x128xf32, #tpu.memory_space<hbm>>
    %dma_start3A_592 = arith.constant 0 : i32
    %dma_start3A_593 = tpu.memref_slice %arg4[%add3A_584, %dma_start3A_592] : memref<100352x128xf32, #tpu.memory_space<hbm>> -> memref<224x128xf32, #tpu.memory_space<hbm>>
    %dma_start3A_594 = arith.constant 0 : i32
    %dma_start3A_595 = arith.constant 0 : i32
    %dma_start3A_596 = tpu.memref_slice %arg6[%dma_start3A_585, %dma_start3A_594, %dma_start3A_595] : memref<4x224x128xf32, #tpu.memory_space<vmem>> -> memref<1x224x128xf32, #tpu.memory_space<vmem>>
    %dma_start3A_597 = tpu.memref_squeeze %dma_start3A_596 : memref<1x224x128xf32, #tpu.memory_space<vmem>> -> memref<224x128xf32, #tpu.memory_space<vmem>>
    tpu.enqueue_dma source(%dma_start3A_597 : memref<224x128xf32, #tpu.memory_space<vmem>>) target(%dma_start3A_593 : memref<224x128xf32, #tpu.memory_space<hbm>>) target_semaphore(%arg9 : memref<!tpu.dma_semaphore, #tpu.memory_space<semaphore_mem>>)
    %dma_wait3A_598 = arith.constant 1 : i32
    %dma_wait3A_599 = arith.constant 0 : i32
    %dma_wait3A_600 = arith.constant 0 : i32
    %dma_wait3A_601 = tpu.memref_slice %arg6[%dma_wait3A_598, %dma_wait3A_599, %dma_wait3A_600] : memref<4x224x128xf32, #tpu.memory_space<vmem>> -> memref<1x224x128xf32, #tpu.memory_space<vmem>>
    %dma_wait3A_602 = tpu.memref_squeeze %dma_wait3A_601 : memref<1x224x128xf32, #tpu.memory_space<vmem>> -> memref<224x128xf32, #tpu.memory_space<vmem>>
    %dma_wait3A_603 = arith.constant 2912 : i32
    %dma_wait3A_604 = tpu.memref_slice %arg5[%dma_wait3A_603] : memref<3136xi32, #tpu.memory_space<vmem>> -> memref<224xi32, #tpu.memory_space<vmem>>
    %dma_wait3A_605 = arith.constant 0 : i32
    %dma_wait3A_606 = arith.constant 0 : i32
    %dma_wait3A_607 = tpu.memref_slice %arg7[%dma_wait3A_605, %dma_wait3A_606] : memref<128x128xf32, #tpu.memory_space<vmem_shared>> -> memref<128x128xf32, #tpu.memory_space<vmem_shared>>
    tpu.wait_indirect_dma semaphore(%arg8 : memref<!tpu.dma_semaphore, #tpu.memory_space<semaphore_mem>>) src(%dma_wait3A_607 : memref<128x128xf32, #tpu.memory_space<vmem_shared>>) dst(%dma_wait3A_602 : memref<224x128xf32, #tpu.memory_space<vmem>>)
    %add3A_608 = arith.constant 2912 : i32
    %add3A_609 = arith.addi %mul3A_2, %add3A_608 : i32
    %dma_start3A_610 = arith.constant 1 : i32
    %dma_start3A_611 = arith.constant 0 : i32
    %dma_start3A_612 = arith.constant 0 : i32
    %dma_start3A_613 = tpu.memref_slice %arg6[%dma_start3A_610, %dma_start3A_611, %dma_start3A_612] : memref<4x224x128xf32, #tpu.memory_space<vmem>> -> memref<1x224x128xf32, #tpu.memory_space<vmem>>
    %dma_start3A_614 = tpu.memref_squeeze %dma_start3A_613 : memref<1x224x128xf32, #tpu.memory_space<vmem>> -> memref<224x128xf32, #tpu.memory_space<vmem>>
    %dma_start3A_615 = arith.constant 0 : i32
    %dma_start3A_616 = tpu.memref_slice %arg4[%add3A_609, %dma_start3A_615] : memref<100352x128xf32, #tpu.memory_space<hbm>> -> memref<224x128xf32, #tpu.memory_space<hbm>>
    %dma_start3A_617 = arith.constant 0 : i32
    %dma_start3A_618 = tpu.memref_slice %arg4[%add3A_609, %dma_start3A_617] : memref<100352x128xf32, #tpu.memory_space<hbm>> -> memref<224x128xf32, #tpu.memory_space<hbm>>
    %dma_start3A_619 = arith.constant 0 : i32
    %dma_start3A_620 = arith.constant 0 : i32
    %dma_start3A_621 = tpu.memref_slice %arg6[%dma_start3A_610, %dma_start3A_619, %dma_start3A_620] : memref<4x224x128xf32, #tpu.memory_space<vmem>> -> memref<1x224x128xf32, #tpu.memory_space<vmem>>
    %dma_start3A_622 = tpu.memref_squeeze %dma_start3A_621 : memref<1x224x128xf32, #tpu.memory_space<vmem>> -> memref<224x128xf32, #tpu.memory_space<vmem>>
    tpu.enqueue_dma source(%dma_start3A_622 : memref<224x128xf32, #tpu.memory_space<vmem>>) target(%dma_start3A_618 : memref<224x128xf32, #tpu.memory_space<hbm>>) target_semaphore(%arg9 : memref<!tpu.dma_semaphore, #tpu.memory_space<semaphore_mem>>)
    %dma_wait3A_623 = arith.constant 2 : i32
    %dma_wait3A_624 = arith.constant 0 : i32
    %dma_wait3A_625 = arith.constant 0 : i32
    %dma_wait3A_626 = tpu.memref_slice %arg6[%dma_wait3A_623, %dma_wait3A_624, %dma_wait3A_625] : memref<4x224x128xf32, #tpu.memory_space<vmem>> -> memref<1x224x128xf32, #tpu.memory_space<vmem>>
    %dma_wait3A_627 = tpu.memref_squeeze %dma_wait3A_626 : memref<1x224x128xf32, #tpu.memory_space<vmem>> -> memref<224x128xf32, #tpu.memory_space<vmem>>
    %dma_wait3A_628 = arith.constant 0 : i32
    %dma_wait3A_629 = tpu.memref_slice %arg4[%add3A_488, %dma_wait3A_628] : memref<100352x128xf32, #tpu.memory_space<hbm>> -> memref<224x128xf32, #tpu.memory_space<hbm>>
    %dma_wait3A_630 = arith.constant 0 : i32
    %dma_wait3A_631 = tpu.memref_slice %arg4[%add3A_488, %dma_wait3A_630] : memref<100352x128xf32, #tpu.memory_space<hbm>> -> memref<224x128xf32, #tpu.memory_space<hbm>>
    %dma_wait3A_632 = arith.constant 0 : i32
    %dma_wait3A_633 = arith.constant 0 : i32
    %dma_wait3A_634 = tpu.memref_slice %arg6[%dma_wait3A_623, %dma_wait3A_632, %dma_wait3A_633] : memref<4x224x128xf32, #tpu.memory_space<vmem>> -> memref<1x224x128xf32, #tpu.memory_space<vmem>>
    %dma_wait3A_635 = tpu.memref_squeeze %dma_wait3A_634 : memref<1x224x128xf32, #tpu.memory_space<vmem>> -> memref<224x128xf32, #tpu.memory_space<vmem>>
    tpu.wait_dma2 semaphore(%arg9 : memref<!tpu.dma_semaphore, #tpu.memory_space<semaphore_mem>>) src(%dma_wait3A_635 : memref<224x128xf32, #tpu.memory_space<vmem>>) dst(%dma_wait3A_631 : memref<224x128xf32, #tpu.memory_space<hbm>>)
    %dma_wait3A_636 = arith.constant 3 : i32
    %dma_wait3A_637 = arith.constant 0 : i32
    %dma_wait3A_638 = arith.constant 0 : i32
    %dma_wait3A_639 = tpu.memref_slice %arg6[%dma_wait3A_636, %dma_wait3A_637, %dma_wait3A_638] : memref<4x224x128xf32, #tpu.memory_space<vmem>> -> memref<1x224x128xf32, #tpu.memory_space<vmem>>
    %dma_wait3A_640 = tpu.memref_squeeze %dma_wait3A_639 : memref<1x224x128xf32, #tpu.memory_space<vmem>> -> memref<224x128xf32, #tpu.memory_space<vmem>>
    %dma_wait3A_641 = arith.constant 0 : i32
    %dma_wait3A_642 = tpu.memref_slice %arg4[%add3A_536, %dma_wait3A_641] : memref<100352x128xf32, #tpu.memory_space<hbm>> -> memref<224x128xf32, #tpu.memory_space<hbm>>
    %dma_wait3A_643 = arith.constant 0 : i32
    %dma_wait3A_644 = tpu.memref_slice %arg4[%add3A_536, %dma_wait3A_643] : memref<100352x128xf32, #tpu.memory_space<hbm>> -> memref<224x128xf32, #tpu.memory_space<hbm>>
    %dma_wait3A_645 = arith.constant 0 : i32
    %dma_wait3A_646 = arith.constant 0 : i32
    %dma_wait3A_647 = tpu.memref_slice %arg6[%dma_wait3A_636, %dma_wait3A_645, %dma_wait3A_646] : memref<4x224x128xf32, #tpu.memory_space<vmem>> -> memref<1x224x128xf32, #tpu.memory_space<vmem>>
    %dma_wait3A_648 = tpu.memref_squeeze %dma_wait3A_647 : memref<1x224x128xf32, #tpu.memory_space<vmem>> -> memref<224x128xf32, #tpu.memory_space<vmem>>
    tpu.wait_dma2 semaphore(%arg9 : memref<!tpu.dma_semaphore, #tpu.memory_space<semaphore_mem>>) src(%dma_wait3A_648 : memref<224x128xf32, #tpu.memory_space<vmem>>) dst(%dma_wait3A_644 : memref<224x128xf32, #tpu.memory_space<hbm>>)
    %dma_wait3A_649 = arith.constant 0 : i32
    %dma_wait3A_650 = arith.constant 0 : i32
    %dma_wait3A_651 = arith.constant 0 : i32
    %dma_wait3A_652 = tpu.memref_slice %arg6[%dma_wait3A_649, %dma_wait3A_650, %dma_wait3A_651] : memref<4x224x128xf32, #tpu.memory_space<vmem>> -> memref<1x224x128xf32, #tpu.memory_space<vmem>>
    %dma_wait3A_653 = tpu.memref_squeeze %dma_wait3A_652 : memref<1x224x128xf32, #tpu.memory_space<vmem>> -> memref<224x128xf32, #tpu.memory_space<vmem>>
    %dma_wait3A_654 = arith.constant 0 : i32
    %dma_wait3A_655 = tpu.memref_slice %arg4[%add3A_584, %dma_wait3A_654] : memref<100352x128xf32, #tpu.memory_space<hbm>> -> memref<224x128xf32, #tpu.memory_space<hbm>>
    %dma_wait3A_656 = arith.constant 0 : i32
    %dma_wait3A_657 = tpu.memref_slice %arg4[%add3A_584, %dma_wait3A_656] : memref<100352x128xf32, #tpu.memory_space<hbm>> -> memref<224x128xf32, #tpu.memory_space<hbm>>
    %dma_wait3A_658 = arith.constant 0 : i32
    %dma_wait3A_659 = arith.constant 0 : i32
    %dma_wait3A_660 = tpu.memref_slice %arg6[%dma_wait3A_649, %dma_wait3A_658, %dma_wait3A_659] : memref<4x224x128xf32, #tpu.memory_space<vmem>> -> memref<1x224x128xf32, #tpu.memory_space<vmem>>
    %dma_wait3A_661 = tpu.memref_squeeze %dma_wait3A_660 : memref<1x224x128xf32, #tpu.memory_space<vmem>> -> memref<224x128xf32, #tpu.memory_space<vmem>>
    tpu.wait_dma2 semaphore(%arg9 : memref<!tpu.dma_semaphore, #tpu.memory_space<semaphore_mem>>) src(%dma_wait3A_661 : memref<224x128xf32, #tpu.memory_space<vmem>>) dst(%dma_wait3A_657 : memref<224x128xf32, #tpu.memory_space<hbm>>)
    %dma_wait3A_662 = arith.constant 1 : i32
    %dma_wait3A_663 = arith.constant 0 : i32
    %dma_wait3A_664 = arith.constant 0 : i32
    %dma_wait3A_665 = tpu.memref_slice %arg6[%dma_wait3A_662, %dma_wait3A_663, %dma_wait3A_664] : memref<4x224x128xf32, #tpu.memory_space<vmem>> -> memref<1x224x128xf32, #tpu.memory_space<vmem>>
    %dma_wait3A_666 = tpu.memref_squeeze %dma_wait3A_665 : memref<1x224x128xf32, #tpu.memory_space<vmem>> -> memref<224x128xf32, #tpu.memory_space<vmem>>
    %dma_wait3A_667 = arith.constant 0 : i32
    %dma_wait3A_668 = tpu.memref_slice %arg4[%add3A_609, %dma_wait3A_667] : memref<100352x128xf32, #tpu.memory_space<hbm>> -> memref<224x128xf32, #tpu.memory_space<hbm>>
    %dma_wait3A_669 = arith.constant 0 : i32
    %dma_wait3A_670 = tpu.memref_slice %arg4[%add3A_609, %dma_wait3A_669] : memref<100352x128xf32, #tpu.memory_space<hbm>> -> memref<224x128xf32, #tpu.memory_space<hbm>>
    %dma_wait3A_671 = arith.constant 0 : i32
    %dma_wait3A_672 = arith.constant 0 : i32
    %dma_wait3A_673 = tpu.memref_slice %arg6[%dma_wait3A_662, %dma_wait3A_671, %dma_wait3A_672] : memref<4x224x128xf32, #tpu.memory_space<vmem>> -> memref<1x224x128xf32, #tpu.memory_space<vmem>>
    %dma_wait3A_674 = tpu.memref_squeeze %dma_wait3A_673 : memref<1x224x128xf32, #tpu.memory_space<vmem>> -> memref<224x128xf32, #tpu.memory_space<vmem>>
    tpu.wait_dma2 semaphore(%arg9 : memref<!tpu.dma_semaphore, #tpu.memory_space<semaphore_mem>>) src(%dma_wait3A_674 : memref<224x128xf32, #tpu.memory_space<vmem>>) dst(%dma_wait3A_670 : memref<224x128xf32, #tpu.memory_space<hbm>>)
    return
  }
}

</mosaic_0001>

<sc_bundles>
// kernel: kernel.3.cloned.1.call-start
scs
__scs_entry_jumppad:
0x0: {  	(pc) =	sbr.rel $0x88, $3  }
0x1: {  	(tag) =	ssettag $0x0;
	lr =	simm.s32 $0x1  }
0x2: {  	[smem:$0x3F9F] =	sst lr;
	_ =	strace $0xD0000000  }
0x3: {  	_ = 	snop  }
0x4: {  	_ = 	snop  }
0x5: {  	_ = 	snop  }
0x6: {  	_ = 	snop  }
0x7: {  	_ = 	snop  }
__scs_overlays_trampoline_lowered:
0x8: {  	[smem:$0x3FAE] =	sst s0  }
0x9: {  	[smem:$0x3FAF] =	sst s1  }
0xa: {  	[smem:$0x3FB0] =	sst s2  }
0xb: {  	[smem:$0x3FB1] =	sst s3  }
0xc: {  	[smem:$0x3FB2] =	sst s4  }
0xd: {  	[smem:$0x3FB3] =	sst s5  }
0xe: {  	[smem:$0x3FB4] =	sst s6  }
0xf: {  	[smem:$0x3FB5] =	sst s7  }
0x10: {  	[smem:$0x3FB6] =	sst s8  }
0x11: {  	[smem:$0x3FB7] =	sst s9;
	s0 =	simm.s32 @!p0 $0x0  }
0x12: {  	s1 =	sld [smem:$0x3F9D];
	s0 =	simm.s32 @p0 $0x1  }
0x13: {  	[smem:$0x3FB8] =	sst s0;
	s0 =	simm.s32 @!p1 $0x0  }
0x14: {  	s2 =	sld [smem:$0x3F9C];
	s0 =	simm.s32 @p1 $0x1  }
0x15: {  	[smem:$0x3FB9] =	sst s0;
	s0 =	simm.s32 @!p2 $0x0  }
0x16: {  	s3 =	sld [smem:$0x3FDB];
	s0 =	simm.s32 @p2 $0x1  }
0x17: {  	s4 =	simm.s32 $0x1BF5;
	[smem:$0x3FBB] =	sst s0  }
0x18: {  	s0 =	sld [smem:$0x3F9E];
	_ =	swait.ge [sflag:s4], $0x0  }
0x19: {  	s7 =	sld [smem:$0x3F9F]  }
0x1a: {  	s8 =	sadd.s32 $0xFFFFE003, lr  }
0x1b: {  	s9 =	sadd.s32 $0xFFFFFEF7, lr;
	s5 =	simm.s32 $0xFFFFFFFF;
	p2 =	slt.u32 s8, $0xFFFFF086  }
0x1c: {  	p1 =	slt.u32 s9, $0xF7A;
	s5 =	simm.s32 @!p2 $0x0  }
0x1d: {  	s5 =	simm.s32 @p1 $0x1;
	p0 =	seq.s32 s7, s2  }
0x1e: {  	s7 =	smul.u32 @!p0 $0xF7A, s2;
	p2 =	seq.s32 @!p0 s5, $0x0  }
0x1f: {  	s9 =	smul.u32 $0xF7A, s1;
	s8 =	simm.s32 @!p0 $0x1BF5;
	p2 =	por !p2, p0  }
0x20: {  	[sflag:s8] =	ssyncset.s32 @!p0 $0xFFFFF086;
	s6 =	sadd.s32 @!p0 s3, s7;
	s7 =	simm.s32 @!p0 $0x108  }
0x21: {  	s3 =	sadd.s32 s3, s9;
	s6 =	sadd.s32 @!p0 $0x88, s6;
	s7 =	simm.s32 @p2 $0x1082  }
0x22: {  	[simem:s7], [sflag:s8] =	dma.local @!p0 [hbm:s6], $0xF7A  }
0x23: {  	s9 =	sor.u32 $0xD0000000, s2;
	s6 =	simm.s32 $0x108;
	_ =	swait.ge @!p0 [sflag:s8], $0x0  }
0x24: {  	s3 =	sadd.s32 $0x88, s3;
	s6 =	simm.s32 @!p1 $0x1082;
	[sflag:s4] =	ssyncset.s32 $0xFFFFF086  }
0x25: {  	[simem:s6], [sflag:s4] =	dma.local [hbm:s3], $0xF7A  }
0x26: {  	[smem:$0x3F9F] =	sst s1;
	(tag) =	ssettag s2;
	_ =	strace s9  }
0x27: {  	s1 =	sld [smem:$0x3FAF]  }
0x28: {  	s2 =	sld [smem:$0x3FB0]  }
0x29: {  	s4 =	sld [smem:$0x3FB2]  }
0x2a: {  	p0 =	seq.s32 s5, $0x0;
	s5 =	sld [smem:$0x3FB3]  }
0x2b: {  	s6 =	sld [smem:$0x3FB4]  }
0x2c: {  	s7 =	sld [smem:$0x3FB5]  }
0x2d: {  	s3 =	simm.s32 $0x108;
	s8 =	sld [smem:$0x3FB6]  }
0x2e: {  	s3 =	simm.s32 @!p0 $0x1082;
	s9 =	sld [smem:$0x3FB7]  }
0x2f: {  	lr =	sadd.s32 s0, s3;
	s0 =	sld [smem:$0x3FAE]  }
0x30: {  	s3 =	sld [smem:$0x3FB1]  }
0x31: {  	[smem:$0x3FBA] =	sst s10  }
0x32: {  	s10 =	sld [smem:$0x3FB8];
	_ =	sdelay $0x3  }
0x33: {  	p0 =	seq.s32 s10, $0x1;
	s10 =	sld [smem:$0x3FBA];
	_ =	sdelay $0x3  }
0x34: {  	[smem:$0x3FBA] =	sst s10  }
0x35: {  	s10 =	sld [smem:$0x3FB9];
	_ =	sdelay $0x3  }
0x36: {  	p1 =	seq.s32 s10, $0x1;
	s10 =	sld [smem:$0x3FBA];
	_ =	sdelay $0x3  }
0x37: {  	[smem:$0x3FBA] =	sst s10  }
0x38: {  	s10 =	sld [smem:$0x3FBB]  }
0x39: {  	_ = 	snop;
	(pc) =	sbr.ind lr, $3  }
0x3a: {  	_ = 	snop  }
0x3b: {  	_ = 	snop  }
0x3c: {  	p2 =	seq.s32 s10, $0x1;
	s10 =	sld [smem:$0x3FBA]  }
0x3d: {  	_ =	shalt  }
0x3e: {  	_ =	shalt  }
0x3f: {  	_ =	shalt  }
0x40: {  	_ =	shalt  }
0x41: {  	_ =	shalt  }
0x42: {  	_ =	shalt  }
0x43: {  	_ =	shalt  }
0x44: {  	_ =	shalt  }
0x45: {  	_ =	shalt  }
0x46: {  	_ =	shalt  }
0x47: {  	_ =	shalt  }
0x48: {  	_ =	shalt  }
0x49: {  	_ =	shalt  }
0x4a: {  	_ =	shalt  }
0x4b: {  	_ =	shalt  }
0x4c: {  	_ =	shalt  }
0x4d: {  	_ =	shalt  }
0x4e: {  	_ =	shalt  }
0x4f: {  	_ =	shalt  }
0x50: {  	_ =	shalt  }
0x51: {  	_ =	shalt  }
0x52: {  	_ =	shalt  }
0x53: {  	_ =	shalt  }
0x54: {  	_ =	shalt  }
0x55: {  	_ =	shalt  }
0x56: {  	_ =	shalt  }
0x57: {  	_ =	shalt  }
0x58: {  	_ =	shalt  }
0x59: {  	_ =	shalt  }
0x5a: {  	_ =	shalt  }
0x5b: {  	_ =	shalt  }
0x5c: {  	_ =	shalt  }
0x5d: {  	_ =	shalt  }
0x5e: {  	_ =	shalt  }
0x5f: {  	_ =	shalt  }
0x60: {  	_ =	shalt  }
0x61: {  	_ =	shalt  }
0x62: {  	_ =	shalt  }
0x63: {  	_ =	shalt  }
0x64: {  	_ =	shalt  }
0x65: {  	_ =	shalt  }
0x66: {  	_ =	shalt  }
0x67: {  	_ =	shalt  }
0x68: {  	_ =	shalt  }
0x69: {  	_ =	shalt  }
0x6a: {  	_ =	shalt  }
0x6b: {  	_ =	shalt  }
0x6c: {  	_ =	shalt  }
0x6d: {  	_ =	shalt  }
0x6e: {  	_ =	shalt  }
0x6f: {  	_ =	shalt  }
0x70: {  	_ =	shalt  }
0x71: {  	_ =	shalt  }
0x72: {  	_ =	shalt  }
0x73: {  	_ =	shalt  }
0x74: {  	_ =	shalt  }
0x75: {  	_ =	shalt  }
0x76: {  	_ =	shalt  }
0x77: {  	_ =	shalt  }
0x78: {  	_ =	shalt  }
0x79: {  	_ =	shalt  }
0x7a: {  	_ =	shalt  }
0x7b: {  	_ =	shalt  }
0x7c: {  	_ =	shalt  }
0x7d: {  	_ =	shalt  }
0x7e: {  	_ =	shalt  }
0x7f: {  	_ =	shalt  }
0x80: {  	_ =	shalt  }
0x81: {  	_ =	shalt  }
0x82: {  	_ =	shalt  }
0x83: {  	_ =	shalt  }
0x84: {  	_ =	shalt  }
0x85: {  	_ =	shalt  }
0x86: {  	_ =	shalt  }
0x87: {  	_ =	shalt  }
.Lfunc_end0:
.L_simem_size_0:
called_computation_lowered:
.L_overlay_start_0:
0x88: {  	s2 =	sld [smem:$0x3FD9]  }
0x89: {  	s3 =	sld [smem:$0x3FFE];
	_ =	sdelay $0x1  }
0x8a: {  	s1 =	srdreg.scid  }
0x8b: {  	s0 =	sand.u32 $0x1, s1  }
0x8c: {  	s17 =	sshll.u32 s0, $0xA;
	s2 =	sadd.s32 s3, s2  }
0x8d: {  	s2 =	sadd.s32 s2, s17  }
0x8e: {  	[smem:$0x3FC6] =	sst s2  }
0x8f: {  	_ = 	snop  }
0x90: {  	s2 =	sld [smem:$0x3FC8]  }
0x91: {  	s18 =	sld [smem:$0x3FD0];
	(tm) =	ssettm $0x1  }
0x92: {  	s4 =	sld [smem:$0x3FFB];
	_ =	sdelay $0x3  }
0x93: {  	_ =	strace s4  }
0x94: {  	s4 =	sld [smem:$0x3FFC];
	_ =	sdelay $0x3  }
0x95: {  	_ =	strace s4  }
0x96: {  	s4 =	sld [smem:$0x3FFD];
	_ =	sdelay $0x3  }
0x97: {  	_ =	strace s4  }
0x98: {  	_ =	strace $0x8FFFFFFF  }
0x99: {  	s19 =	sld [smem:$0x3FDB];
	_ =	sdelay $0x1  }
0x9a: {  	s5 =	simm.s32 $_scs_section_size  }
0x9b: {  	s6 =	simm.s32 $_size__tile_overlayer_lowered;
	s7 =	simm.s32 $_tile_overlayer_lowered  }
0x9c: {  	s22 =	simm.s32 $0x1BFF;
	s21 =	sshll.u32 s7, $0x1;
	s4 =	sadd.s32 s5, s19  }
0x9d: {  	s8 =	simm.s32 $0x0;
	s20 =	sshll.u32 s6, $0x1;
	s6 =	sadd.s32 s21, s4  }
0x9e: {  	[timem:s8], [sflag:s22] =	dma.local [hbm:s6], s20  }
0x9f: {  	_ =	swait.ge [sflag:s22], s20  }
0xa0: {  	s5 =	ssub.s32 $0x0, s20;
	[sflag:s22] =	ssyncset.done $0x0  }
0xa1: {  	[sflag:s22] =	ssyncadd.s32 s5;
	_ =	sdelay $0x1  }
0xa2: {  	s23 =	simm.s32 $0x1B8B  }
0xa3: {  	_ =	swait.ge [sflag:s23], $0x1  }
0xa4: {  	[sflag:s23] =	ssyncset.done $0x0  }
0xa5: {  	s25 =	simm.s32 $0x1B8E;
	s24 =	sld [smem:$0x3FFE];
	[sflag:s23] =	ssyncadd.s32 $0xFFFFFFFF  }
0xa6: {  	s26 =	simm.s32 $execute0_lowered;
	[smem:$0x3FD2] =	sst s25  }
0xa7: {  	s6 =	sshll.u32 s26, $0x1;
	_ =	strace $0x80000046;
	[dreg:$0x1] =	wrdreg $0xFFFFFFFF  }
0xa8: {  	s28 =	simm.s32 $_size_execute0_lowered;
	s4 =	sadd.s32 s4, s6;
	[dreg:$0x0] =	wrdreg $0x0  }
0xa9: {  	s6 =	sshll.u32 s28, $0x1;
	[dreg:$0x2] =	wrdreg s4  }
0xaa: {  	[dreg:$0x3] =	wrdreg s6  }
0xab: {  	[dreg:$0x4] =	wrdreg $0xC0  }
0xac: {  	_ =	task [dreg:s8], $0x5FFFF  }
0xad: {  	[dreg:$0x1] =	wrdreg $0xFFFFFFFF  }
0xae: {  	[dreg:$0x0] =	wrdreg $0x60  }
0xaf: {  	[dreg:$0x2] =	wrdreg s18  }
0xb0: {  	[dreg:$0x3] =	wrdreg s2  }
0xb1: {  	[dreg:$0x4] =	wrdreg s24  }
0xb2: {  	[dreg:$0x5] =	wrdreg $0x1CC800  }
0xb3: {  	[dreg:$0x6] =	wrdreg $0x9  }
0xb4: {  	_ =	task.clear_ibuf [dreg:s8], $0x7FFFF;
	_ =	strace $0x90000046  }
0xb5: {  	s29 =	simm.s32 $0x9;
	_ =	strace $0x80000048  }
0xb6: {  	_ =	swait.ge [sflag:s29], $0x1  }
0xb7: {  	[sflag:s29] =	ssyncadd.s32 $0xFFFFFFFF  }
0xb8: {  	_ =	strace $0x90000048  }
0xb9: {  	_ =	sfence  }
0xba: {  	s30 =	sld [smem:$0x0];
	_ =	sdelay $0x2  }
0xbb: {  	s31 =	sshll.u32 s1, $0xD;
	s1 =	sshrl.u32 s1, $0x2  }
0xbc: {  	s3 =	sand.u32 $0x4000, s31;
	s1 =	sadd.s32 s1, s30  }
0xbd: {  	s0 =	sor.u32 s3, s0;
	s1 =	sshll.u32 s1, $0x11  }
0xbe: {  	s0 =	sor.u32 s1, s0  }
0xbf: {  	s0 =	sadd.s32 $0x8F2B, s0  }
0xc0: {  	[sflag:s0] =	ssyncadd.remote.s32 $0x1  }
0xc1: {  	_ =	sfence.sel $0xFFFF  }
0xc2: {  	[dreg:$0x0] =	wrdreg $0xFFFFFFFF;
	(pc) =	sbr.abs _section_cstart, $3  }
0xc3: {  	[dreg:$0x1] =	wrdreg $0xFFFFFFFF  }
0xc4: {  	_ =	task.clear_ibuf [dreg:s8], $0x2FFFF;
	_ =	strace $0x9FFFFFFF  }
0xc5: {  	(tm) =	ssettm $0x7FFFFFFF  }
tec
execute0_lowered:
.L_overlay_start_1:
0x0: {  	(tag) =	ssettag $0x1  }
0x1: {  	s0 =	rddreg [dreg:$0x0]  }
0x2: {  	s1 =	rddreg [dreg:$0x1]  }
0x3: {  	s4 =	rddreg [dreg:$0x2]  }
0x4: {  	s13 =	srdreg.scid;
	s2 =	rddreg [dreg:$0x3]  }
0x5: {  	s3 =	stileid.u32;
	s30 =	rddreg [dreg:$0x4];
	s10 =	simm.s32 $0xE0  }
0x6: {  	s9 =	simm.s32 $0xC80;
	s12 =	simm.s32 $0x15C80;
	p1 =	por $0x0, $0x0  }
0x7: {  	[dreg:$0x5] =	wrdreg s1;
	s5 =	sand.u32 $0x1, s13;
	s14 =	sshll.u32 s3, $0x1  }
0x8: {  	s1 =	simm.s32 $0x0;
	s4 =	sadd.s32 $0x400, s4;
	s6 =	sor.u32 s5, s14  }
0x9: {  	p0 =	sne.s32 s3, $0x0;
	s13 =	simm.s32 $0xEC80;
	s7 =	smul.u32 $0x188, s6  }
0xa: {  	[smem:$0x7FF] =	sst s1;
	s5 =	ssub.s32 $0x2, s5;
	s8 =	smul.u32 $0x62000, s6  }
0xb: {  	s28 =	sshrl.u32 @!p0 s2, $0x3;
	s14 =	simm.s32 $0xB60;
	s6 =	smul.u32 $0xC400, s6  }
0xc: {  	_ =	strace $0x80000047;
	s25 =	sshrl.u32 s5, $0x1;
	s0 =	sadd.s32 s0, s7  }
0xd: {  	s15 =	sshrl.u32 s8, $0x3;
	s16 =	sadd.s32 s4, s6;
	s6 =	ssub.s32 s5, s25  }
0xe: {  	s7 =	simm.s32 $0x1;
	s25 =	simm.s32 $0x1C0;
	[dreg:$0x6] =	wrdreg s0  }
0xf: {  	s4 =	sadd.s32 s4, s15;
	[dreg:$0x7] =	wrdreg s16;
	s29 =	smax.u32 s6, $0x1  }
0x10: {  	s6 =	simm.s32 $0x7C80;
	s0 =	rddreg [dreg:$0x5];
	s17 =	sadd.s32 $0xE00, s4  }
0x11: {  	s16 =	simm.s32 $0x9A0;
	s18 =	sadd.s32 $0x1C00, s4;
	[dreg:$0x8] =	wrdreg s17  }
0x12: {  	s15 =	simm.s32 $0xA80;
	s19 =	sadd.s32 $0x2A00, s4;
	[dreg:$0x9] =	wrdreg s18  }
0x13: {  	s20 =	sadd.s32 $0x3800, s4;
	s21 =	sadd.s32 $0x4600, s4;
	[dreg:$0xa] =	wrdreg s19  }
0x14: {  	s22 =	sadd.s32 $0x5400, s4;
	s23 =	sadd.s32 $0x6200, s4;
	[dreg:$0xb] =	wrdreg s20  }
0x15: {  	s24 =	sadd.s32 $0x7000, s4;
	s26 =	sadd.s32 $0x7E00, s4;
	[dreg:$0xc] =	wrdreg s21  }
0x16: {  	s11 =	sadd.s32 $0x8C00, s4;
	s31 =	sadd.s32 $0xFFFFFFFF, s29;
	[dreg:$0xd] =	wrdreg s22  }
0x17: {  	s8 =	sadd.s32 $0x9A00, s4;
	[dreg:$0xe] =	wrdreg s23;
	p2 =	sne.s32 s31, $0x0  }
.Ltmp0:
0x18: {  	s5 =	sadd.s32 $0xA800, s4;
	[dreg:$0xf] =	wrdreg s24;
	(pc) =	sbr.rel @!p2 .LBB2_5-.Ltmp0, $4  }
0x19: {  	s3 =	sadd.s32 $0xB600, s4;
	s4 =	simm.s32 $0x2;
	[dreg:$0x10] =	wrdreg s26  }
0x1a: {  	s26 =	simm.s32 $0x3;
	s24 =	simm.s32 $0x2A0;
	s23 =	simm.s32 $0x380  }
0x1b: {  	s22 =	simm.s32 $0x460;
	s21 =	simm.s32 $0x540;
	s20 =	simm.s32 $0x620  }
0x1c: {  	s19 =	simm.s32 $0x700;
	s18 =	simm.s32 $0x7E0;
	s17 =	simm.s32 $0x8C0  }
0x1d: {  	s29 =	simm.s32 @!p0 $0x1C03;
	s30 =	simm.s32 @!p0 $0x3  }
0x1e: {  	[spmem:s28], [sflag:s29] =	dma.local @!p0 [hbm:s0], $0x800  }
0x1f: {  	_ =	swait.ge @!p0 [sflag:s30], $0x800  }
0x20: {  	[sflag:s30] =	ssyncset.done @!p0 $0x0  }
0x21: {  	s0 =	rddreg [dreg:$0x6];
	[sflag:s30] =	ssyncadd.s32 @!p0 $0xFFFFF800  }
0x22: {  	[tilespmem:s1], [sflag:$0x3] =	stream.linear.gather [hbm4b:s0+s1], $0xC40, $0x38;
	[tilespmem:$0x1D080] =	vst v63  }
0x23: {  	_ =	swait.ge [sflag:s26], $0xC40  }
0x24: {  	[sflag:s26] =	ssyncset.done $0x0  }
0x25: {  	[sflag:s26] =	ssyncadd.s32 $0xFFFFF3C0  }
0x26: {  	[bflag:$0x0] =	sbarrier.arrive $0xFFFF  }
0x27: {  	[tilespmem:s9], [sflag:$0x1] =	stream.indirect.gather [spmem:s2], $0x80, s1, s10, $0xb8;
	[tilespmem:$0x1D080] =	vst v63  }
0x28: {  	_ = 	snop  }
0x29: {  	[tilespmem:s6], [sflag:$0x1] =	stream.indirect.gather [spmem:s2], $0x80, s10, s10, $0xb8;
	[tilespmem:$0x1D080] =	vst v63  }
0x2a: {  	_ =	swait.ge [sflag:s7], $0x7000  }
0x2b: {  	[sflag:s7] =	ssyncset.done $0x0  }
0x2c: {  	s0 =	rddreg [dreg:$0x7];
	[sflag:s7] =	ssyncadd.s32 $0xFFFF9000  }
0x2d: {  	[hbm4b:s0+s1] =	stream.linear.scatter [tilespmem:s9], [sflag:$0x2], $0x7000, $0x38;
	[tilespmem:$0x1D080] =	vst v63  }
0x2e: {  	_ = 	snop  }
0x2f: {  	[tilespmem:s13], [sflag:$0x1] =	stream.indirect.gather [spmem:s2], $0x80, s25, s10, $0xb8;
	[tilespmem:$0x1D080] =	vst v63  }
0x30: {  	_ =	swait.ge [sflag:s7], $0x7000  }
0x31: {  	[sflag:s7] =	ssyncset.done $0x0  }
0x32: {  	s0 =	rddreg [dreg:$0x8];
	[sflag:s7] =	ssyncadd.s32 $0xFFFF9000  }
0x33: {  	[hbm4b:s0+s1] =	stream.linear.scatter [tilespmem:s6], [sflag:$0x2], $0x7000, $0x38;
	[tilespmem:$0x1D080] =	vst v63  }
0x34: {  	_ = 	snop  }
0x35: {  	[tilespmem:s12], [sflag:$0x1] =	stream.indirect.gather [spmem:s2], $0x80, s24, s10, $0xb8;
	[tilespmem:$0x1D080] =	vst v63  }
0x36: {  	_ =	swait.ge [sflag:s7], $0x7000  }
0x37: {  	[sflag:s7] =	ssyncset.done $0x0  }
0x38: {  	s0 =	rddreg [dreg:$0x9];
	[sflag:s7] =	ssyncadd.s32 $0xFFFF9000  }
0x39: {  	[hbm4b:s0+s1] =	stream.linear.scatter [tilespmem:s13], [sflag:$0x2], $0x7000, $0x38;
	[tilespmem:$0x1D080] =	vst v63  }
0x3a: {  	_ =	swait.ge [sflag:s4], $0x7000  }
0x3b: {  	[sflag:s4] =	ssyncset.done $0x0  }
0x3c: {  	[sflag:s4] =	ssyncadd.s32 $0xFFFF9000  }
0x3d: {  	[tilespmem:s9], [sflag:$0x1] =	stream.indirect.gather [spmem:s2], $0x80, s23, s10, $0xb8;
	[tilespmem:$0x1D080] =	vst v63  }
0x3e: {  	_ =	swait.ge [sflag:s7], $0x7000  }
0x3f: {  	[sflag:s7] =	ssyncset.done $0x0  }
0x40: {  	s0 =	rddreg [dreg:$0xa];
	[sflag:s7] =	ssyncadd.s32 $0xFFFF9000  }
0x41: {  	[hbm4b:s0+s1] =	stream.linear.scatter [tilespmem:s12], [sflag:$0x2], $0x7000, $0x38;
	[tilespmem:$0x1D080] =	vst v63  }
0x42: {  	_ =	swait.ge [sflag:s4], $0x7000  }
0x43: {  	[sflag:s4] =	ssyncset.done $0x0  }
0x44: {  	[sflag:s4] =	ssyncadd.s32 $0xFFFF9000  }
0x45: {  	[tilespmem:s6], [sflag:$0x1] =	stream.indirect.gather [spmem:s2], $0x80, s22, s10, $0xb8;
	[tilespmem:$0x1D080] =	vst v63  }
0x46: {  	_ =	swait.ge [sflag:s7], $0x7000  }
0x47: {  	[sflag:s7] =	ssyncset.done $0x0  }
0x48: {  	s0 =	rddreg [dreg:$0xb];
	[sflag:s7] =	ssyncadd.s32 $0xFFFF9000  }
0x49: {  	[hbm4b:s0+s1] =	stream.linear.scatter [tilespmem:s9], [sflag:$0x2], $0x7000, $0x38;
	[tilespmem:$0x1D080] =	vst v63  }
0x4a: {  	_ =	swait.ge [sflag:s4], $0x7000  }
0x4b: {  	[sflag:s4] =	ssyncset.done $0x0  }
0x4c: {  	[sflag:s4] =	ssyncadd.s32 $0xFFFF9000  }
0x4d: {  	[tilespmem:s13], [sflag:$0x1] =	stream.indirect.gather [spmem:s2], $0x80, s21, s10, $0xb8;
	[tilespmem:$0x1D080] =	vst v63  }
0x4e: {  	_ =	swait.ge [sflag:s7], $0x7000  }
0x4f: {  	[sflag:s7] =	ssyncset.done $0x0  }
0x50: {  	s0 =	rddreg [dreg:$0xc];
	[sflag:s7] =	ssyncadd.s32 $0xFFFF9000  }
0x51: {  	[hbm4b:s0+s1] =	stream.linear.scatter [tilespmem:s6], [sflag:$0x2], $0x7000, $0x38;
	[tilespmem:$0x1D080] =	vst v63  }
0x52: {  	_ =	swait.ge [sflag:s4], $0x7000  }
0x53: {  	[sflag:s4] =	ssyncset.done $0x0  }
0x54: {  	[sflag:s4] =	ssyncadd.s32 $0xFFFF9000  }
0x55: {  	[tilespmem:s12], [sflag:$0x1] =	stream.indirect.gather [spmem:s2], $0x80, s20, s10, $0xb8;
	[tilespmem:$0x1D080] =	vst v63  }
0x56: {  	_ =	swait.ge [sflag:s7], $0x7000  }
0x57: {  	[sflag:s7] =	ssyncset.done $0x0  }
0x58: {  	s0 =	rddreg [dreg:$0xd];
	[sflag:s7] =	ssyncadd.s32 $0xFFFF9000  }
0x59: {  	[hbm4b:s0+s1] =	stream.linear.scatter [tilespmem:s13], [sflag:$0x2], $0x7000, $0x38;
	[tilespmem:$0x1D080] =	vst v63  }
0x5a: {  	_ =	swait.ge [sflag:s4], $0x7000  }
0x5b: {  	[sflag:s4] =	ssyncset.done $0x0  }
0x5c: {  	[sflag:s4] =	ssyncadd.s32 $0xFFFF9000  }
0x5d: {  	[tilespmem:s9], [sflag:$0x1] =	stream.indirect.gather [spmem:s2], $0x80, s19, s10, $0xb8;
	[tilespmem:$0x1D080] =	vst v63  }
0x5e: {  	_ =	swait.ge [sflag:s7], $0x7000  }
0x5f: {  	[sflag:s7] =	ssyncset.done $0x0  }
0x60: {  	s0 =	rddreg [dreg:$0xe];
	[sflag:s7] =	ssyncadd.s32 $0xFFFF9000  }
0x61: {  	[hbm4b:s0+s1] =	stream.linear.scatter [tilespmem:s12], [sflag:$0x2], $0x7000, $0x38;
	[tilespmem:$0x1D080] =	vst v63  }
0x62: {  	_ =	swait.ge [sflag:s4], $0x7000  }
0x63: {  	[sflag:s4] =	ssyncset.done $0x0  }
0x64: {  	[sflag:s4] =	ssyncadd.s32 $0xFFFF9000  }
0x65: {  	[tilespmem:s6], [sflag:$0x1] =	stream.indirect.gather [spmem:s2], $0x80, s18, s10, $0xb8;
	[tilespmem:$0x1D080] =	vst v63  }
0x66: {  	_ =	swait.ge [sflag:s7], $0x7000  }
0x67: {  	[sflag:s7] =	ssyncset.done $0x0  }
0x68: {  	s0 =	rddreg [dreg:$0xf];
	[sflag:s7] =	ssyncadd.s32 $0xFFFF9000  }
0x69: {  	[hbm4b:s0+s1] =	stream.linear.scatter [tilespmem:s9], [sflag:$0x2], $0x7000, $0x38;
	[tilespmem:$0x1D080] =	vst v63  }
0x6a: {  	_ =	swait.ge [sflag:s4], $0x7000  }
0x6b: {  	[sflag:s4] =	ssyncset.done $0x0  }
0x6c: {  	[sflag:s4] =	ssyncadd.s32 $0xFFFF9000  }
0x6d: {  	[tilespmem:s13], [sflag:$0x1] =	stream.indirect.gather [spmem:s2], $0x80, s17, s10, $0xb8;
	[tilespmem:$0x1D080] =	vst v63  }
0x6e: {  	_ =	swait.ge [sflag:s7], $0x7000  }
0x6f: {  	[sflag:s7] =	ssyncset.done $0x0  }
0x70: {  	s0 =	rddreg [dreg:$0x10];
	[sflag:s7] =	ssyncadd.s32 $0xFFFF9000  }
0x71: {  	[hbm4b:s0+s1] =	stream.linear.scatter [tilespmem:s6], [sflag:$0x2], $0x7000, $0x38;
	[tilespmem:$0x1D080] =	vst v63  }
0x72: {  	_ =	swait.ge [sflag:s4], $0x7000  }
0x73: {  	[sflag:s4] =	ssyncset.done $0x0  }
0x74: {  	[sflag:s4] =	ssyncadd.s32 $0xFFFF9000  }
0x75: {  	[tilespmem:s12], [sflag:$0x1] =	stream.indirect.gather [spmem:s2], $0x80, s16, s10, $0xb8;
	[tilespmem:$0x1D080] =	vst v63  }
0x76: {  	_ =	swait.ge [sflag:s7], $0x7000  }
0x77: {  	[sflag:s7] =	ssyncset.done $0x0  }
0x78: {  	[sflag:s7] =	ssyncadd.s32 $0xFFFF9000  }
0x79: {  	[hbm4b:s11+s1] =	stream.linear.scatter [tilespmem:s13], [sflag:$0x2], $0x7000, $0x38;
	[tilespmem:$0x1D080] =	vst v63  }
0x7a: {  	_ =	swait.ge [sflag:s4], $0x7000  }
0x7b: {  	[sflag:s4] =	ssyncset.done $0x0  }
0x7c: {  	[sflag:s4] =	ssyncadd.s32 $0xFFFF9000  }
0x7d: {  	[tilespmem:s9], [sflag:$0x1] =	stream.indirect.gather [spmem:s2], $0x80, s15, s10, $0xb8;
	[tilespmem:$0x1D080] =	vst v63  }
0x7e: {  	_ =	swait.ge [sflag:s7], $0x7000  }
0x7f: {  	[sflag:s7] =	ssyncset.done $0x0  }
0x80: {  	[sflag:s7] =	ssyncadd.s32 $0xFFFF9000  }
0x81: {  	[hbm4b:s8+s1] =	stream.linear.scatter [tilespmem:s12], [sflag:$0x2], $0x7000, $0x38;
	[tilespmem:$0x1D080] =	vst v63  }
0x82: {  	_ =	swait.ge [sflag:s4], $0x7000  }
0x83: {  	[sflag:s4] =	ssyncset.done $0x0  }
0x84: {  	[sflag:s4] =	ssyncadd.s32 $0xFFFF9000  }
0x85: {  	[tilespmem:s6], [sflag:$0x1] =	stream.indirect.gather [spmem:s2], $0x80, s14, s10, $0xb8;
	[tilespmem:$0x1D080] =	vst v63  }
0x86: {  	_ =	swait.ge [sflag:s7], $0x7000  }
0x87: {  	[sflag:s7] =	ssyncset.done $0x0  }
0x88: {  	[sflag:s7] =	ssyncadd.s32 $0xFFFF9000  }
0x89: {  	[hbm4b:s5+s1] =	stream.linear.scatter [tilespmem:s9], [sflag:$0x2], $0x7000, $0x38;
	[tilespmem:$0x1D080] =	vst v63  }
0x8a: {  	_ =	swait.ge [sflag:s7], $0x7000  }
0x8b: {  	[sflag:s7] =	ssyncset.done $0x0  }
0x8c: {  	[sflag:s7] =	ssyncadd.s32 $0xFFFF9000  }
0x8d: {  	[hbm4b:s3+s1] =	stream.linear.scatter [tilespmem:s6], [sflag:$0x2], $0x7000, $0x38;
	[tilespmem:$0x1D080] =	vst v63  }
0x8e: {  	_ =	swait.ge [sflag:s4], $0x7000  }
0x8f: {  	[sflag:s4] =	ssyncset.done $0x0  }
0x90: {  	[sflag:s4] =	ssyncadd.s32 $0xFFFF9000  }
0x91: {  	_ =	swait.ge [sflag:s4], $0x7000  }
0x92: {  	s31 =	sadd.s32 $0xFFFFFFFF, s31;
	[sflag:s4] =	ssyncset.done $0x0  }
0x93: {  	p2 =	sne.s32 s31, $0x0;
	[sflag:s4] =	ssyncadd.s32 $0xFFFF9000  }
.Ltmp1:
0x94: {  	_ =	swait.ge [sflag:s4], $0x7000;
	(pc) =	sbr.rel @!p2 .LBB2_2-.Ltmp1, $4  }
0x95: {  	[sflag:s4] =	ssyncset.done $0x0  }
0x96: {  	[sflag:s4] =	ssyncadd.s32 $0xFFFF9000  }
0x97: {  	_ =	swait.ge [sflag:s4], $0x7000  }
0x98: {  	p1 =	por $0x1, $0x1;
	s0 =	rddreg [dreg:$0x5];
	[sflag:s4] =	ssyncset.done $0x0  }
.LBB2_3:
0x99: {  	[sflag:s4] =	ssyncadd.s32 $0xFFFF9000  }
0x9a: {  	[spmem:s28], [sflag:s29] =	dma.local @!p0 [hbm:s0], $0x800  }
0x9b: {  	_ =	swait.ge @!p0 [sflag:s30], $0x800  }
0x9c: {  	[sflag:s30] =	ssyncset.done @!p0 $0x0  }
0x9d: {  	s0 =	rddreg [dreg:$0x6];
	[sflag:s30] =	ssyncadd.s32 @!p0 $0xFFFFF800  }
0x9e: {  	[tilespmem:s1], [sflag:$0x3] =	stream.linear.gather [hbm4b:s0+s1], $0xC40, $0x38;
	[tilespmem:$0x1D080] =	vst v63  }
0x9f: {  	_ =	swait.ge [sflag:s26], $0xC40  }
0xa0: {  	[sflag:s26] =	ssyncset.done $0x0  }
0xa1: {  	[sflag:s26] =	ssyncadd.s32 $0xFFFFF3C0  }
0xa2: {  	[bflag:$0x0] =	sbarrier.arrive $0xFFFF  }
0xa3: {  	[tilespmem:s9], [sflag:$0x1] =	stream.indirect.gather [spmem:s2], $0x80, s1, s10, $0xb8;
	[tilespmem:$0x1D080] =	vst v63  }
0xa4: {  	_ = 	snop  }
0xa5: {  	[tilespmem:s6], [sflag:$0x1] =	stream.indirect.gather [spmem:s2], $0x80, s10, s10, $0xb8;
	[tilespmem:$0x1D080] =	vst v63  }
0xa6: {  	_ =	swait.ge [sflag:s7], $0x7000  }
0xa7: {  	[sflag:s7] =	ssyncset.done $0x0  }
0xa8: {  	s0 =	rddreg [dreg:$0x7];
	[sflag:s7] =	ssyncadd.s32 $0xFFFF9000  }
0xa9: {  	[hbm4b:s0+s1] =	stream.linear.scatter [tilespmem:s9], [sflag:$0x2], $0x7000, $0x38;
	[tilespmem:$0x1D080] =	vst v63  }
0xaa: {  	_ = 	snop  }
0xab: {  	[tilespmem:s13], [sflag:$0x1] =	stream.indirect.gather [spmem:s2], $0x80, s25, s10, $0xb8;
	[tilespmem:$0x1D080] =	vst v63  }
0xac: {  	_ =	swait.ge [sflag:s7], $0x7000  }
0xad: {  	[sflag:s7] =	ssyncset.done $0x0  }
0xae: {  	s0 =	rddreg [dreg:$0x8];
	[sflag:s7] =	ssyncadd.s32 $0xFFFF9000  }
0xaf: {  	[hbm4b:s0+s1] =	stream.linear.scatter [tilespmem:s6], [sflag:$0x2], $0x7000, $0x38;
	[tilespmem:$0x1D080] =	vst v63  }
0xb0: {  	_ = 	snop  }
0xb1: {  	[tilespmem:s12], [sflag:$0x1] =	stream.indirect.gather [spmem:s2], $0x80, s24, s10, $0xb8;
	[tilespmem:$0x1D080] =	vst v63  }
0xb2: {  	_ =	swait.ge [sflag:s7], $0x7000  }
0xb3: {  	[sflag:s7] =	ssyncset.done $0x0  }
0xb4: {  	s0 =	rddreg [dreg:$0x9];
	[sflag:s7] =	ssyncadd.s32 $0xFFFF9000  }
0xb5: {  	[hbm4b:s0+s1] =	stream.linear.scatter [tilespmem:s13], [sflag:$0x2], $0x7000, $0x38;
	[tilespmem:$0x1D080] =	vst v63  }
0xb6: {  	_ =	swait.ge [sflag:s4], $0x7000  }
0xb7: {  	[sflag:s4] =	ssyncset.done $0x0  }
0xb8: {  	[sflag:s4] =	ssyncadd.s32 $0xFFFF9000  }
0xb9: {  	[tilespmem:s9], [sflag:$0x1] =	stream.indirect.gather [spmem:s2], $0x80, s23, s10, $0xb8;
	[tilespmem:$0x1D080] =	vst v63  }
0xba: {  	_ =	swait.ge [sflag:s7], $0x7000  }
0xbb: {  	[sflag:s7] =	ssyncset.done $0x0  }
0xbc: {  	s0 =	rddreg [dreg:$0xa];
	[sflag:s7] =	ssyncadd.s32 $0xFFFF9000  }
0xbd: {  	[hbm4b:s0+s1] =	stream.linear.scatter [tilespmem:s12], [sflag:$0x2], $0x7000, $0x38;
	[tilespmem:$0x1D080] =	vst v63  }
0xbe: {  	_ =	swait.ge [sflag:s4], $0x7000  }
0xbf: {  	[sflag:s4] =	ssyncset.done $0x0  }
0xc0: {  	[sflag:s4] =	ssyncadd.s32 $0xFFFF9000  }
0xc1: {  	[tilespmem:s6], [sflag:$0x1] =	stream.indirect.gather [spmem:s2], $0x80, s22, s10, $0xb8;
	[tilespmem:$0x1D080] =	vst v63  }
0xc2: {  	_ =	swait.ge [sflag:s7], $0x7000  }
0xc3: {  	[sflag:s7] =	ssyncset.done $0x0  }
0xc4: {  	s0 =	rddreg [dreg:$0xb];
	[sflag:s7] =	ssyncadd.s32 $0xFFFF9000  }
0xc5: {  	[hbm4b:s0+s1] =	stream.linear.scatter [tilespmem:s9], [sflag:$0x2], $0x7000, $0x38;
	[tilespmem:$0x1D080] =	vst v63  }
0xc6: {  	_ =	swait.ge [sflag:s4], $0x7000  }
0xc7: {  	[sflag:s4] =	ssyncset.done $0x0  }
0xc8: {  	[sflag:s4] =	ssyncadd.s32 $0xFFFF9000  }
0xc9: {  	[tilespmem:s13], [sflag:$0x1] =	stream.indirect.gather [spmem:s2], $0x80, s21, s10, $0xb8;
	[tilespmem:$0x1D080] =	vst v63  }
0xca: {  	_ =	swait.ge [sflag:s7], $0x7000  }
0xcb: {  	[sflag:s7] =	ssyncset.done $0x0  }
0xcc: {  	s0 =	rddreg [dreg:$0xc];
	[sflag:s7] =	ssyncadd.s32 $0xFFFF9000  }
0xcd: {  	[hbm4b:s0+s1] =	stream.linear.scatter [tilespmem:s6], [sflag:$0x2], $0x7000, $0x38;
	[tilespmem:$0x1D080] =	vst v63  }
0xce: {  	_ =	swait.ge [sflag:s4], $0x7000  }
0xcf: {  	[sflag:s4] =	ssyncset.done $0x0  }
0xd0: {  	[sflag:s4] =	ssyncadd.s32 $0xFFFF9000  }
0xd1: {  	[tilespmem:s12], [sflag:$0x1] =	stream.indirect.gather [spmem:s2], $0x80, s20, s10, $0xb8;
	[tilespmem:$0x1D080] =	vst v63  }
0xd2: {  	_ =	swait.ge [sflag:s7], $0x7000  }
0xd3: {  	[sflag:s7] =	ssyncset.done $0x0  }
0xd4: {  	s0 =	rddreg [dreg:$0xd];
	[sflag:s7] =	ssyncadd.s32 $0xFFFF9000  }
0xd5: {  	[hbm4b:s0+s1] =	stream.linear.scatter [tilespmem:s13], [sflag:$0x2], $0x7000, $0x38;
	[tilespmem:$0x1D080] =	vst v63  }
0xd6: {  	_ =	swait.ge [sflag:s4], $0x7000  }
0xd7: {  	[sflag:s4] =	ssyncset.done $0x0  }
0xd8: {  	[sflag:s4] =	ssyncadd.s32 $0xFFFF9000  }
0xd9: {  	[tilespmem:s9], [sflag:$0x1] =	stream.indirect.gather [spmem:s2], $0x80, s19, s10, $0xb8;
	[tilespmem:$0x1D080] =	vst v63  }
0xda: {  	_ =	swait.ge [sflag:s7], $0x7000  }
0xdb: {  	[sflag:s7] =	ssyncset.done $0x0  }
0xdc: {  	s0 =	rddreg [dreg:$0xe];
	[sflag:s7] =	ssyncadd.s32 $0xFFFF9000  }
0xdd: {  	[hbm4b:s0+s1] =	stream.linear.scatter [tilespmem:s12], [sflag:$0x2], $0x7000, $0x38;
	[tilespmem:$0x1D080] =	vst v63  }
0xde: {  	_ =	swait.ge [sflag:s4], $0x7000  }
0xdf: {  	[sflag:s4] =	ssyncset.done $0x0  }
0xe0: {  	[sflag:s4] =	ssyncadd.s32 $0xFFFF9000  }
0xe1: {  	[tilespmem:s6], [sflag:$0x1] =	stream.indirect.gather [spmem:s2], $0x80, s18, s10, $0xb8;
	[tilespmem:$0x1D080] =	vst v63  }
0xe2: {  	_ =	swait.ge [sflag:s7], $0x7000  }
0xe3: {  	[sflag:s7] =	ssyncset.done $0x0  }
0xe4: {  	s0 =	rddreg [dreg:$0xf];
	[sflag:s7] =	ssyncadd.s32 $0xFFFF9000  }
0xe5: {  	[hbm4b:s0+s1] =	stream.linear.scatter [tilespmem:s9], [sflag:$0x2], $0x7000, $0x38;
	[tilespmem:$0x1D080] =	vst v63  }
0xe6: {  	_ =	swait.ge [sflag:s4], $0x7000  }
0xe7: {  	[sflag:s4] =	ssyncset.done $0x0  }
0xe8: {  	[sflag:s4] =	ssyncadd.s32 $0xFFFF9000  }
0xe9: {  	[tilespmem:s13], [sflag:$0x1] =	stream.indirect.gather [spmem:s2], $0x80, s17, s10, $0xb8;
	[tilespmem:$0x1D080] =	vst v63  }
0xea: {  	_ =	swait.ge [sflag:s7], $0x7000  }
0xeb: {  	[sflag:s7] =	ssyncset.done $0x0  }
0xec: {  	s0 =	rddreg [dreg:$0x10];
	[sflag:s7] =	ssyncadd.s32 $0xFFFF9000  }
0xed: {  	[hbm4b:s0+s1] =	stream.linear.scatter [tilespmem:s6], [sflag:$0x2], $0x7000, $0x38;
	[tilespmem:$0x1D080] =	vst v63  }
0xee: {  	_ =	swait.ge [sflag:s4], $0x7000  }
0xef: {  	[sflag:s4] =	ssyncset.done $0x0  }
0xf0: {  	[sflag:s4] =	ssyncadd.s32 $0xFFFF9000  }
0xf1: {  	[tilespmem:s12], [sflag:$0x1] =	stream.indirect.gather [spmem:s2], $0x80, s16, s10, $0xb8;
	[tilespmem:$0x1D080] =	vst v63  }
0xf2: {  	_ =	swait.ge [sflag:s7], $0x7000  }
0xf3: {  	[sflag:s7] =	ssyncset.done $0x0  }
0xf4: {  	[sflag:s7] =	ssyncadd.s32 $0xFFFF9000  }
0xf5: {  	[hbm4b:s11+s1] =	stream.linear.scatter [tilespmem:s13], [sflag:$0x2], $0x7000, $0x38;
	[tilespmem:$0x1D080] =	vst v63  }
0xf6: {  	_ =	swait.ge [sflag:s4], $0x7000  }
0xf7: {  	[sflag:s4] =	ssyncset.done $0x0  }
0xf8: {  	[sflag:s4] =	ssyncadd.s32 $0xFFFF9000  }
0xf9: {  	[tilespmem:s9], [sflag:$0x1] =	stream.indirect.gather [spmem:s2], $0x80, s15, s10, $0xb8;
	[tilespmem:$0x1D080] =	vst v63  }
0xfa: {  	_ =	swait.ge [sflag:s7], $0x7000  }
0xfb: {  	[sflag:s7] =	ssyncset.done $0x0  }
0xfc: {  	[sflag:s7] =	ssyncadd.s32 $0xFFFF9000  }
0xfd: {  	[hbm4b:s8+s1] =	stream.linear.scatter [tilespmem:s12], [sflag:$0x2], $0x7000, $0x38;
	[tilespmem:$0x1D080] =	vst v63  }
0xfe: {  	_ =	swait.ge [sflag:s4], $0x7000  }
0xff: {  	[sflag:s4] =	ssyncset.done $0x0  }
0x100: {  	[sflag:s4] =	ssyncadd.s32 $0xFFFF9000  }
0x101: {  	[tilespmem:s6], [sflag:$0x1] =	stream.indirect.gather [spmem:s2], $0x80, s14, s10, $0xb8;
	[tilespmem:$0x1D080] =	vst v63  }
0x102: {  	_ =	swait.ge [sflag:s7], $0x7000  }
0x103: {  	[sflag:s7] =	ssyncset.done $0x0  }
0x104: {  	[sflag:s7] =	ssyncadd.s32 $0xFFFF9000  }
0x105: {  	[hbm4b:s5+s1] =	stream.linear.scatter [tilespmem:s9], [sflag:$0x2], $0x7000, $0x38;
	[tilespmem:$0x1D080] =	vst v63  }
0x106: {  	_ =	swait.ge [sflag:s7], $0x7000  }
0x107: {  	[sflag:s7] =	ssyncset.done $0x0  }
0x108: {  	[sflag:s7] =	ssyncadd.s32 $0xFFFF9000  }
0x109: {  	[hbm4b:s3+s1] =	stream.linear.scatter [tilespmem:s6], [sflag:$0x2], $0x7000, $0x38;
	[tilespmem:$0x1D080] =	vst v63  }
0x10a: {  	_ =	swait.ge [sflag:s4], $0x7000  }
0x10b: {  	[sflag:s4] =	ssyncset.done $0x0  }
0x10c: {  	[sflag:s4] =	ssyncadd.s32 $0xFFFF9000  }
0x10d: {  	_ =	swait.ge [sflag:s4], $0x7000  }
0x10e: {  	s31 =	sadd.s32 $0xFFFFFFFF, s31;
	[sflag:s4] =	ssyncset.done $0x0  }
0x10f: {  	p2 =	sne.s32 s31, $0x0;
	[sflag:s4] =	ssyncadd.s32 $0xFFFF9000  }
.Ltmp2:
0x110: {  	_ =	swait.ge [sflag:s4], $0x7000;
	(pc) =	sbr.rel @p2 .LBB2_3-.Ltmp2, $4  }
0x111: {  	[sflag:s4] =	ssyncset.done $0x0  }
0x112: {  	[sflag:s4] =	ssyncadd.s32 $0xFFFF9000  }
0x113: {  	_ =	swait.ge [sflag:s4], $0x7000  }
0x114: {  	s0 =	rddreg [dreg:$0x5];
	[sflag:s4] =	ssyncset.done $0x0  }
0x115: {  	s30 =	rddreg [dreg:$0x4]  }
.LBB2_5:
0x116: {  	[sflag:s4] =	ssyncadd.s32 @p1 $0xFFFF9000;
	s29 =	simm.s32 @!p0 $0x1C03  }
0x117: {  	[spmem:s28], [sflag:s29] =	dma.local @!p0 [hbm:s0], $0x800  }
0x118: {  	s0 =	simm.s32 @!p0 $0x3  }
0x119: {  	_ =	swait.ge @!p0 [sflag:s0], $0x800  }
0x11a: {  	[sflag:s0] =	ssyncset.done @!p0 $0x0  }
0x11b: {  	s31 =	rddreg [dreg:$0x6];
	[sflag:s0] =	ssyncadd.s32 @!p0 $0xFFFFF800  }
0x11c: {  	[tilespmem:s1], [sflag:$0x3] =	stream.linear.gather [hbm4b:s31+s1], $0xC40, $0x38;
	[tilespmem:$0x1D080] =	vst v63  }
0x11d: {  	_ =	swait.ge [sflag:s26], $0xC40  }
0x11e: {  	[sflag:s26] =	ssyncset.done $0x0  }
0x11f: {  	[sflag:s26] =	ssyncadd.s32 $0xFFFFF3C0  }
0x120: {  	[bflag:$0x0] =	sbarrier.arrive $0xFFFF  }
0x121: {  	[tilespmem:s9], [sflag:$0x1] =	stream.indirect.gather [spmem:s2], $0x80, s1, s10, $0xb8;
	[tilespmem:$0x1D080] =	vst v63  }
0x122: {  	_ = 	snop  }
0x123: {  	[tilespmem:s6], [sflag:$0x1] =	stream.indirect.gather [spmem:s2], $0x80, s10, s10, $0xb8;
	[tilespmem:$0x1D080] =	vst v63  }
0x124: {  	_ =	swait.ge [sflag:s7], $0x7000  }
0x125: {  	[sflag:s7] =	ssyncset.done $0x0  }
0x126: {  	s28 =	rddreg [dreg:$0x7];
	[sflag:s7] =	ssyncadd.s32 $0xFFFF9000  }
0x127: {  	[hbm4b:s28+s1] =	stream.linear.scatter [tilespmem:s9], [sflag:$0x2], $0x7000, $0x38;
	[tilespmem:$0x1D080] =	vst v63  }
0x128: {  	_ = 	snop  }
0x129: {  	[tilespmem:s13], [sflag:$0x1] =	stream.indirect.gather [spmem:s2], $0x80, s25, s10, $0xb8;
	[tilespmem:$0x1D080] =	vst v63  }
0x12a: {  	_ =	swait.ge [sflag:s7], $0x7000  }
0x12b: {  	[sflag:s7] =	ssyncset.done $0x0  }
0x12c: {  	s29 =	rddreg [dreg:$0x8];
	[sflag:s7] =	ssyncadd.s32 $0xFFFF9000  }
0x12d: {  	[hbm4b:s29+s1] =	stream.linear.scatter [tilespmem:s6], [sflag:$0x2], $0x7000, $0x38;
	[tilespmem:$0x1D080] =	vst v63  }
0x12e: {  	_ = 	snop  }
0x12f: {  	[tilespmem:s12], [sflag:$0x1] =	stream.indirect.gather [spmem:s2], $0x80, s24, s10, $0xb8;
	[tilespmem:$0x1D080] =	vst v63  }
0x130: {  	_ =	swait.ge [sflag:s7], $0x7000  }
0x131: {  	[sflag:s7] =	ssyncset.done $0x0  }
0x132: {  	s31 =	rddreg [dreg:$0x9];
	[sflag:s7] =	ssyncadd.s32 $0xFFFF9000  }
0x133: {  	[hbm4b:s31+s1] =	stream.linear.scatter [tilespmem:s13], [sflag:$0x2], $0x7000, $0x38;
	[tilespmem:$0x1D080] =	vst v63  }
0x134: {  	_ =	swait.ge [sflag:s4], $0x7000  }
0x135: {  	[sflag:s4] =	ssyncset.done $0x0  }
0x136: {  	[sflag:s4] =	ssyncadd.s32 $0xFFFF9000  }
0x137: {  	[tilespmem:s9], [sflag:$0x1] =	stream.indirect.gather [spmem:s2], $0x80, s23, s10, $0xb8;
	[tilespmem:$0x1D080] =	vst v63  }
0x138: {  	_ =	swait.ge [sflag:s7], $0x7000  }
0x139: {  	[sflag:s7] =	ssyncset.done $0x0  }
0x13a: {  	s23 =	rddreg [dreg:$0xa];
	[sflag:s7] =	ssyncadd.s32 $0xFFFF9000  }
0x13b: {  	[hbm4b:s23+s1] =	stream.linear.scatter [tilespmem:s12], [sflag:$0x2], $0x7000, $0x38;
	[tilespmem:$0x1D080] =	vst v63  }
0x13c: {  	_ =	swait.ge [sflag:s4], $0x7000  }
0x13d: {  	[sflag:s4] =	ssyncset.done $0x0  }
0x13e: {  	[sflag:s4] =	ssyncadd.s32 $0xFFFF9000  }
0x13f: {  	[tilespmem:s6], [sflag:$0x1] =	stream.indirect.gather [spmem:s2], $0x80, s22, s10, $0xb8;
	[tilespmem:$0x1D080] =	vst v63  }
0x140: {  	_ =	swait.ge [sflag:s7], $0x7000  }
0x141: {  	[sflag:s7] =	ssyncset.done $0x0  }
0x142: {  	s24 =	rddreg [dreg:$0xb];
	[sflag:s7] =	ssyncadd.s32 $0xFFFF9000  }
0x143: {  	[hbm4b:s24+s1] =	stream.linear.scatter [tilespmem:s9], [sflag:$0x2], $0x7000, $0x38;
	[tilespmem:$0x1D080] =	vst v63  }
0x144: {  	_ =	swait.ge [sflag:s4], $0x7000  }
0x145: {  	[sflag:s4] =	ssyncset.done $0x0  }
0x146: {  	[sflag:s4] =	ssyncadd.s32 $0xFFFF9000  }
0x147: {  	[tilespmem:s13], [sflag:$0x1] =	stream.indirect.gather [spmem:s2], $0x80, s21, s10, $0xb8;
	[tilespmem:$0x1D080] =	vst v63  }
0x148: {  	_ =	swait.ge [sflag:s7], $0x7000  }
0x149: {  	[sflag:s7] =	ssyncset.done $0x0  }
0x14a: {  	s25 =	rddreg [dreg:$0xc];
	[sflag:s7] =	ssyncadd.s32 $0xFFFF9000  }
0x14b: {  	[hbm4b:s25+s1] =	stream.linear.scatter [tilespmem:s6], [sflag:$0x2], $0x7000, $0x38;
	[tilespmem:$0x1D080] =	vst v63  }
0x14c: {  	_ =	swait.ge [sflag:s4], $0x7000  }
0x14d: {  	[sflag:s4] =	ssyncset.done $0x0  }
0x14e: {  	[sflag:s4] =	ssyncadd.s32 $0xFFFF9000  }
0x14f: {  	[tilespmem:s12], [sflag:$0x1] =	stream.indirect.gather [spmem:s2], $0x80, s20, s10, $0xb8;
	[tilespmem:$0x1D080] =	vst v63  }
0x150: {  	_ =	swait.ge [sflag:s7], $0x7000  }
0x151: {  	[sflag:s7] =	ssyncset.done $0x0  }
0x152: {  	s26 =	rddreg [dreg:$0xd];
	[sflag:s7] =	ssyncadd.s32 $0xFFFF9000  }
0x153: {  	[hbm4b:s26+s1] =	stream.linear.scatter [tilespmem:s13], [sflag:$0x2], $0x7000, $0x38;
	[tilespmem:$0x1D080] =	vst v63  }
0x154: {  	_ =	swait.ge [sflag:s4], $0x7000  }
0x155: {  	[sflag:s4] =	ssyncset.done $0x0  }
0x156: {  	[sflag:s4] =	ssyncadd.s32 $0xFFFF9000  }
0x157: {  	[tilespmem:s9], [sflag:$0x1] =	stream.indirect.gather [spmem:s2], $0x80, s19, s10, $0xb8;
	[tilespmem:$0x1D080] =	vst v63  }
0x158: {  	_ =	swait.ge [sflag:s7], $0x7000  }
0x159: {  	[sflag:s7] =	ssyncset.done $0x0  }
0x15a: {  	s28 =	rddreg [dreg:$0xe];
	[sflag:s7] =	ssyncadd.s32 $0xFFFF9000  }
0x15b: {  	[hbm4b:s28+s1] =	stream.linear.scatter [tilespmem:s12], [sflag:$0x2], $0x7000, $0x38;
	[tilespmem:$0x1D080] =	vst v63  }
0x15c: {  	_ =	swait.ge [sflag:s4], $0x7000  }
0x15d: {  	[sflag:s4] =	ssyncset.done $0x0  }
0x15e: {  	[sflag:s4] =	ssyncadd.s32 $0xFFFF9000  }
0x15f: {  	[tilespmem:s6], [sflag:$0x1] =	stream.indirect.gather [spmem:s2], $0x80, s18, s10, $0xb8;
	[tilespmem:$0x1D080] =	vst v63  }
0x160: {  	_ =	swait.ge [sflag:s7], $0x7000  }
0x161: {  	[sflag:s7] =	ssyncset.done $0x0  }
0x162: {  	s29 =	rddreg [dreg:$0xf];
	[sflag:s7] =	ssyncadd.s32 $0xFFFF9000  }
0x163: {  	[hbm4b:s29+s1] =	stream.linear.scatter [tilespmem:s9], [sflag:$0x2], $0x7000, $0x38;
	[tilespmem:$0x1D080] =	vst v63  }
0x164: {  	_ =	swait.ge [sflag:s4], $0x7000  }
0x165: {  	[sflag:s4] =	ssyncset.done $0x0  }
0x166: {  	[sflag:s4] =	ssyncadd.s32 $0xFFFF9000  }
0x167: {  	[tilespmem:s13], [sflag:$0x1] =	stream.indirect.gather [spmem:s2], $0x80, s17, s10, $0xb8;
	[tilespmem:$0x1D080] =	vst v63  }
0x168: {  	_ =	swait.ge [sflag:s7], $0x7000  }
0x169: {  	[sflag:s7] =	ssyncset.done $0x0  }
0x16a: {  	s31 =	rddreg [dreg:$0x10];
	[sflag:s7] =	ssyncadd.s32 $0xFFFF9000  }
0x16b: {  	[hbm4b:s31+s1] =	stream.linear.scatter [tilespmem:s6], [sflag:$0x2], $0x7000, $0x38;
	[tilespmem:$0x1D080] =	vst v63  }
0x16c: {  	_ =	swait.ge [sflag:s4], $0x7000  }
0x16d: {  	[sflag:s4] =	ssyncset.done $0x0  }
0x16e: {  	[sflag:s4] =	ssyncadd.s32 $0xFFFF9000  }
0x16f: {  	[tilespmem:s12], [sflag:$0x1] =	stream.indirect.gather [spmem:s2], $0x80, s16, s10, $0xb8;
	[tilespmem:$0x1D080] =	vst v63  }
0x170: {  	_ =	swait.ge [sflag:s7], $0x7000  }
0x171: {  	[sflag:s7] =	ssyncset.done $0x0  }
0x172: {  	[sflag:s7] =	ssyncadd.s32 $0xFFFF9000  }
0x173: {  	[hbm4b:s11+s1] =	stream.linear.scatter [tilespmem:s13], [sflag:$0x2], $0x7000, $0x38;
	[tilespmem:$0x1D080] =	vst v63  }
0x174: {  	_ =	swait.ge [sflag:s4], $0x7000  }
0x175: {  	[sflag:s4] =	ssyncset.done $0x0  }
0x176: {  	[sflag:s4] =	ssyncadd.s32 $0xFFFF9000  }
0x177: {  	[tilespmem:s9], [sflag:$0x1] =	stream.indirect.gather [spmem:s2], $0x80, s15, s10, $0xb8;
	[tilespmem:$0x1D080] =	vst v63  }
0x178: {  	_ =	swait.ge [sflag:s7], $0x7000  }
0x179: {  	[sflag:s7] =	ssyncset.done $0x0  }
0x17a: {  	[sflag:s7] =	ssyncadd.s32 $0xFFFF9000  }
0x17b: {  	[hbm4b:s8+s1] =	stream.linear.scatter [tilespmem:s12], [sflag:$0x2], $0x7000, $0x38;
	[tilespmem:$0x1D080] =	vst v63  }
0x17c: {  	_ =	swait.ge [sflag:s4], $0x7000  }
0x17d: {  	[sflag:s4] =	ssyncset.done $0x0  }
0x17e: {  	[sflag:s4] =	ssyncadd.s32 $0xFFFF9000  }
0x17f: {  	[tilespmem:s6], [sflag:$0x1] =	stream.indirect.gather [spmem:s2], $0x80, s14, s10, $0xb8;
	[tilespmem:$0x1D080] =	vst v63  }
0x180: {  	_ =	swait.ge [sflag:s7], $0x7000  }
0x181: {  	[sflag:s7] =	ssyncset.done $0x0  }
0x182: {  	[sflag:s7] =	ssyncadd.s32 $0xFFFF9000  }
0x183: {  	[hbm4b:s5+s1] =	stream.linear.scatter [tilespmem:s9], [sflag:$0x2], $0x7000, $0x38;
	[tilespmem:$0x1D080] =	vst v63  }
0x184: {  	_ =	swait.ge [sflag:s7], $0x7000  }
0x185: {  	[sflag:s7] =	ssyncset.done $0x0  }
0x186: {  	[sflag:s7] =	ssyncadd.s32 $0xFFFF9000  }
0x187: {  	[hbm4b:s3+s1] =	stream.linear.scatter [tilespmem:s6], [sflag:$0x2], $0x7000, $0x38;
	[tilespmem:$0x1D080] =	vst v63  }
0x188: {  	_ =	swait.ge [sflag:s4], $0x7000  }
0x189: {  	[sflag:s4] =	ssyncset.done $0x0  }
0x18a: {  	[sflag:s4] =	ssyncadd.s32 $0xFFFF9000  }
0x18b: {  	_ =	swait.ge [sflag:s4], $0x7000  }
0x18c: {  	[sflag:s4] =	ssyncset.done $0x0  }
0x18d: {  	[sflag:s4] =	ssyncadd.s32 $0xFFFF9000  }
0x18e: {  	_ =	swait.ge [sflag:s4], $0x7000  }
0x18f: {  	[sflag:s4] =	ssyncset.done $0x0  }
0x190: {  	[sflag:s4] =	ssyncadd.s32 $0xFFFF9000  }
0x191: {  	_ =	swait.ge [sflag:s4], $0x7000  }
0x192: {  	[sflag:s4] =	ssyncset.done $0x0  }
0x193: {  	[sflag:s4] =	ssyncadd.s32 $0xFFFF9000  }
0x194: {  	_ =	sfence.sel $0x180000  }
0x195: {  	[bflag:$0x0] =	sbarrier.arrive $0xFFFF  }
0x196: {  	_ =	strace $0x90000047  }
0x197: {  	s0 =	sadd.s32 @!p0 $0x100000, s30;
	[bflag:$0x2] =	sbarrier.arrive $0xFFFF  }
0x198: {  	[sflag:s0] =	ssyncadd.tile.s32 @!p0 $0x1;
	_ =	shalt  }
.LBB2_2:
.Ltmp3:
0x199: {  	(pc) =	sbr.rel .LBB2_5-.Ltmp3, $2  }
0x19a: {  	_ =	sdelay $0x2  }
0x19b: {  	s30 =	rddreg [dreg:$0x4]  }
.Lfunc_end2:
_tile_overlayer_lowered:
.L_overlay_start_2:
0x19c: {  	(tag) =	ssettag $0x2  }
0x19d: {  	s0 =	rddreg [dreg:$0x0];
	s2 =	stileid.u32  }
0x19e: {  	s1 =	rddreg [dreg:$0x1];
	p0 =	sne.s32 s2, $0x0  }
0x19f: {  	s3 =	rddreg [dreg:$0x2];
	[bflag:$0x3] =	sbarrier.arrive $0xFFFF;
	s2 =	simm.s32 @!p0 $0x1C03  }
0x1a0: {  	[timem:s3], [sflag:s2] =	dma.local @!p0 [hbm:s0], s1  }
0x1a1: {  	s0 =	simm.s32 @!p0 $0x3  }
0x1a2: {  	_ =	swait.ge @!p0 [sflag:s0], s1  }
0x1a3: {  	s1 =	ssub.s32 @!p0 $0x0, s1;
	[sflag:s0] =	ssyncset.done @!p0 $0x0  }
0x1a4: {  	[sflag:s0] =	ssyncadd.s32 @!p0 s1  }
0x1a5: {  	[bflag:$0x3] =	sbarrier.arrive $0xFFFF  }
0x1a6: {  	_ =	shalt  }

</sc_bundles>
